<compile_context>
chip_gen: v7x
topology: tpu7x:2x2x1
jax: 0.10.2.dev20260603
libtpu: 0.0.44.dev20260713+nightly
codegen_flags: <defaults>
</compile_context>

<pallas_src>
import functools

import jax
import jax.numpy as jnp
from jax import lax
from jax.experimental import pallas as pl
from jax.experimental.pallas import tpu as pltpu
from jax.experimental.pallas import tpu_sc as plsc

N_NODES = 50000
N_EDGES = 800000
NODE_DIM = 64
EDGE_DIM = 32

NW = 32
EDGES_PER_W = N_EDGES // NW
OP_ROWS = 125
K_OPS = 8
CHUNK = OP_ROWS * K_OPS
N_CHUNKS = EDGES_PER_W // CHUNK

_mesh = plsc.VectorSubcoreMesh(core_axis_name="c", subcore_axis_name="s")


@functools.partial(
    pl.kernel,
    mesh=_mesh,
    compiler_params=pltpu.CompilerParams(use_tc_tiling_on_sc=False),
    out_type=jax.ShapeDtypeStruct((N_EDGES, 2 * EDGE_DIM), jnp.float32),
    scratch_types=[
        pltpu.VMEM((K_OPS, OP_ROWS), jnp.int32),
        pltpu.VMEM((K_OPS, OP_ROWS), jnp.int32),
        pltpu.VMEM((CHUNK, EDGE_DIM), jnp.float32),
        pltpu.VMEM((CHUNK, EDGE_DIM), jnp.float32),
        pltpu.SemaphoreType.DMA,
    ],
)
def _gather_edges(ptab_hbm, qtab_hbm, ports_hbm, protos_hbm, out_hbm,
                  idxp_v, idxq_v, bufp_v, bufq_v, sem):
    wid = lax.axis_index("s") * 2 + lax.axis_index("c")
    base = wid * EDGES_PER_W

    def body(i, carry):
        off = pl.multiple_of(base + i * CHUNK, CHUNK)
        idx_off = pl.multiple_of(
            wid * (EDGES_PER_W // OP_ROWS) + i * K_OPS, K_OPS)
        pltpu.sync_copy(ports_hbm.at[pl.ds(idx_off, K_OPS)], idxp_v)
        pltpu.sync_copy(protos_hbm.at[pl.ds(idx_off, K_OPS)], idxq_v)
        handles = []
        for j in range(K_OPS):
            sl = pl.ds(j * OP_ROWS, OP_ROWS)
            handles.append(pltpu.async_copy(
                ptab_hbm.at[idxp_v.at[j]], bufp_v.at[sl], sem))
            handles.append(pltpu.async_copy(
                qtab_hbm.at[idxq_v.at[j]], bufq_v.at[sl], sem))
        for h in handles:
            h.wait()
        rows = out_hbm.at[pl.ds(off, CHUNK)]
        pltpu.sync_copy(bufp_v, rows.at[:, pl.ds(0, EDGE_DIM)])
        pltpu.sync_copy(bufq_v, rows.at[:, pl.ds(EDGE_DIM, EDGE_DIM)])
        return carry

    lax.fori_loop(0, N_CHUNKS, body, 0)


def _mm_body(x_ref, w_ref, b_ref, o_ref):
    o_ref[...] = (
        lax.dot_general(
            x_ref[...], w_ref[...],
            (((1,), (1,)), ((), ())),
            preferred_element_type=jnp.float32,
        )
        + b_ref[...]
    )


_MM_BLOCK = 2000


def _node_proj(ip_bits, W_ip, b_ip):
    return pl.pallas_call(
        _mm_body,
        grid=(N_NODES // _MM_BLOCK,),
        in_specs=[
            pl.BlockSpec((_MM_BLOCK, 32), lambda i: (i, 0)),
            pl.BlockSpec((NODE_DIM, 32), lambda i: (0, 0)),
            pl.BlockSpec((1, NODE_DIM), lambda i: (0, 0)),
        ],
        out_specs=pl.BlockSpec((_MM_BLOCK, NODE_DIM), lambda i: (i, 0)),
        out_shape=jax.ShapeDtypeStruct((N_NODES, NODE_DIM), jnp.float32),
    )(ip_bits, W_ip, b_ip.reshape(1, NODE_DIM))


def kernel(ip_bits, ports, protos, W_ip, b_ip, port_table, proto_table):
    ports2 = ports.astype(jnp.int32).reshape(N_EDGES // OP_ROWS, OP_ROWS)
    protos2 = protos.astype(jnp.int32).reshape(N_EDGES // OP_ROWS, OP_ROWS)
    edge_attr = _gather_edges(port_table, proto_table, ports2, protos2)
    x_embedded = _node_proj(ip_bits, W_ip, b_ip)
    return (x_embedded, edge_attr)

# --- scband reference (transcript-rebuilt; emitter-appended) ---
"""Pipeline reference for scband-log-encoder-4655744549445 (READ-ONLY COPY).

The authoritative reference and input builder live on the scoring server;
editing this copy changes nothing except your own understanding.
"""

import jax, jax.numpy as jnp
import numpy as np

N_NODES = 50000
N_EDGES = 800000
NODE_DIM = 64
EDGE_DIM = 32

def setup_inputs(seed: int = 0) -> dict:
    key = jax.random.key(seed)
    k1, k2, k3, k4, k5, k6, k7 = jax.random.split(key, 7)
    ip_bits = jax.random.uniform(k1, (N_NODES, 32), dtype=jnp.float32)
    ports = jax.random.randint(k2, (N_EDGES,), 0, 65536, dtype=jnp.int64)
    protos = jax.random.randint(k3, (N_EDGES,), 0, 256, dtype=jnp.int64)
    W_ip = jax.random.normal(k4, (NODE_DIM, 32), dtype=jnp.float32) * (1.0 / np.sqrt(32.0))
    b_ip = jax.random.normal(k5, (NODE_DIM,), dtype=jnp.float32) * 0.01
    port_table = jax.random.normal(k6, (65536, EDGE_DIM), dtype=jnp.float32)
    proto_table = jax.random.normal(k7, (256, EDGE_DIM), dtype=jnp.float32)
    return {
        "ip_bits": ip_bits,
        "ports": ports,
        "protos": protos,
        "W_ip": W_ip,
        "b_ip": b_ip,
        "port_table": port_table,
        "proto_table": proto_table,
    }

def reference(ip_bits, ports, protos, W_ip, b_ip, port_table, proto_table):
    # Node features: linear projection of 32-bit IP encodings
    x_embedded = ip_bits @ W_ip.T + b_ip
    # Edge features: port embedding lookup + proto embedding lookup, concatenated
    port_embeds = jnp.take(port_table, ports, axis=0)
    proto_embeds = jnp.take(proto_table, protos, axis=0)
    edge_attr = jnp.concatenate([port_embeds, proto_embeds], axis=1)
    return (x_embedded, edge_attr)

if __name__ == "__main__":
    import jax
    _d = setup_inputs()
    print(jax.jit(kernel)(*tuple(_d.values())))

</pallas_src>

<mosaic_0001>
#map = affine_map<(d0, d1) -> (0, 0)>
module attributes {stable_mosaic.version = 14 : i64} {
  func.func @_gather_edges(%arg0: i32, %arg1: i32, %arg2: memref<65536x32xf32, #tpu.memory_space<hbm>>, %arg3: memref<256x32xf32, #tpu.memory_space<hbm>>, %arg4: memref<6400x125xi32, #tpu.memory_space<hbm>>, %arg5: memref<6400x125xi32, #tpu.memory_space<hbm>>, %arg6: memref<800000x64xf32, #tpu.memory_space<hbm>>, %arg7: memref<8x125xi32, #tpu.memory_space<vmem>>, %arg8: memref<8x125xi32, #tpu.memory_space<vmem>>, %arg9: memref<1000x32xf32, #tpu.memory_space<vmem>>, %arg10: memref<1000x32xf32, #tpu.memory_space<vmem>>, %arg11: memref<!tpu.dma_semaphore, #tpu.memory_space<semaphore_mem>>) attributes {dimension_semantics = [#tpu.dimension_semantics<core_parallel>, #tpu.dimension_semantics<subcore_parallel>], iteration_bounds = array<i64: 2, 16>, scalar_prefetch = 0 : i64, scratch_operands = 5 : i64, tpu.core_type = #tpu.core_type<sc_vector_subcore>, window_params = [{transform_indices = #map}, {transform_indices = #map}, {transform_indices = #map}, {transform_indices = #map}, {transform_indices = #map}]} {
    %mul3A = arith.constant 2 : i32
    %mul3A_0 = arith.muli %arg1, %mul3A : i32
    %add3A = arith.addi %mul3A_0, %arg0 : i32
    %mul3A_1 = arith.constant 25000 : i32
    %mul3A_2 = arith.muli %add3A, %mul3A_1 : i32
    %scan3A = arith.constant 0 : i32
    %scan3A_3 = arith.constant 0 : i32
    %scan3A_4 = arith.constant 25 : i32
    %scan3A_5 = arith.addi %scan3A_3, %scan3A_4 : i32
    %scan3A_6 = arith.constant 1 : i32
    scf.for %scan3A_8 = %scan3A_3 to %scan3A_5 step %scan3A_6  : i32 {
      %mul3A_9 = arith.constant 1000 : i32
      %mul3A_10 = arith.muli %scan3A_8, %mul3A_9 : i32
      %add3A_11 = arith.addi %mul3A_2, %mul3A_10 : i32
      %multiple_of3A = tpu.assume_multiple %add3A_11, 1000 : i32
      %mul3A_12 = arith.constant 200 : i32
      %mul3A_13 = arith.muli %add3A, %mul3A_12 : i32
      %mul3A_14 = arith.constant 8 : i32
      %mul3A_15 = arith.muli %scan3A_8, %mul3A_14 : i32
      %add3A_16 = arith.addi %mul3A_13, %mul3A_15 : i32
      %multiple_of3A_17 = tpu.assume_multiple %add3A_16, 8 : i32
      "tpu.region"() ({
        %run_scoped3A = tpu.sem_alloc : memref<!tpu.dma_semaphore, #tpu.memory_space<semaphore_mem>>
        %dma_start3A_336 = arith.constant 0 : i32
        %dma_start3A_337 = tpu.memref_slice %arg4[%multiple_of3A_17, %dma_start3A_336] : memref<6400x125xi32, #tpu.memory_space<hbm>> -> memref<8x125xi32, #tpu.memory_space<hbm>>
        %dma_start3A_338 = arith.constant 0 : i32
        %dma_start3A_339 = tpu.memref_slice %arg4[%multiple_of3A_17, %dma_start3A_338] : memref<6400x125xi32, #tpu.memory_space<hbm>> -> memref<8x125xi32, #tpu.memory_space<hbm>>
        tpu.enqueue_dma source(%dma_start3A_339 : memref<8x125xi32, #tpu.memory_space<hbm>>) target(%arg7 : memref<8x125xi32, #tpu.memory_space<vmem>>) target_semaphore(%run_scoped3A : memref<!tpu.dma_semaphore, #tpu.memory_space<semaphore_mem>>)
        %dma_wait3A_340 = arith.constant 0 : i32
        %dma_wait3A_341 = tpu.memref_slice %arg4[%multiple_of3A_17, %dma_wait3A_340] : memref<6400x125xi32, #tpu.memory_space<hbm>> -> memref<8x125xi32, #tpu.memory_space<hbm>>
        %dma_wait3A_342 = arith.constant 0 : i32
        %dma_wait3A_343 = tpu.memref_slice %arg4[%multiple_of3A_17, %dma_wait3A_342] : memref<6400x125xi32, #tpu.memory_space<hbm>> -> memref<8x125xi32, #tpu.memory_space<hbm>>
        tpu.wait_dma2 semaphore(%run_scoped3A : memref<!tpu.dma_semaphore, #tpu.memory_space<semaphore_mem>>) src(%dma_wait3A_343 : memref<8x125xi32, #tpu.memory_space<hbm>>) dst(%arg7 : memref<8x125xi32, #tpu.memory_space<vmem>>)
        tpu.yield
      }) : () -> ()
      "tpu.region"() ({
        %run_scoped3A = tpu.sem_alloc : memref<!tpu.dma_semaphore, #tpu.memory_space<semaphore_mem>>
        %dma_start3A_336 = arith.constant 0 : i32
        %dma_start3A_337 = tpu.memref_slice %arg5[%multiple_of3A_17, %dma_start3A_336] : memref<6400x125xi32, #tpu.memory_space<hbm>> -> memref<8x125xi32, #tpu.memory_space<hbm>>
        %dma_start3A_338 = arith.constant 0 : i32
        %dma_start3A_339 = tpu.memref_slice %arg5[%multiple_of3A_17, %dma_start3A_338] : memref<6400x125xi32, #tpu.memory_space<hbm>> -> memref<8x125xi32, #tpu.memory_space<hbm>>
        tpu.enqueue_dma source(%dma_start3A_339 : memref<8x125xi32, #tpu.memory_space<hbm>>) target(%arg8 : memref<8x125xi32, #tpu.memory_space<vmem>>) target_semaphore(%run_scoped3A : memref<!tpu.dma_semaphore, #tpu.memory_space<semaphore_mem>>)
        %dma_wait3A_340 = arith.constant 0 : i32
        %dma_wait3A_341 = tpu.memref_slice %arg5[%multiple_of3A_17, %dma_wait3A_340] : memref<6400x125xi32, #tpu.memory_space<hbm>> -> memref<8x125xi32, #tpu.memory_space<hbm>>
        %dma_wait3A_342 = arith.constant 0 : i32
        %dma_wait3A_343 = tpu.memref_slice %arg5[%multiple_of3A_17, %dma_wait3A_342] : memref<6400x125xi32, #tpu.memory_space<hbm>> -> memref<8x125xi32, #tpu.memory_space<hbm>>
        tpu.wait_dma2 semaphore(%run_scoped3A : memref<!tpu.dma_semaphore, #tpu.memory_space<semaphore_mem>>) src(%dma_wait3A_343 : memref<8x125xi32, #tpu.memory_space<hbm>>) dst(%arg8 : memref<8x125xi32, #tpu.memory_space<vmem>>)
        tpu.yield
      }) : () -> ()
      %dma_start3A = arith.constant 0 : i32
      %dma_start3A_18 = arith.constant 0 : i32
      %dma_start3A_19 = arith.constant 0 : i32
      %dma_start3A_20 = tpu.memref_slice %arg9[%dma_start3A_18, %dma_start3A_19] : memref<1000x32xf32, #tpu.memory_space<vmem>> -> memref<125x32xf32, #tpu.memory_space<vmem>>
      %dma_start3A_21 = arith.constant 0 : i32
      %dma_start3A_22 = tpu.memref_slice %arg7[%dma_start3A, %dma_start3A_21] : memref<8x125xi32, #tpu.memory_space<vmem>> -> memref<1x125xi32, #tpu.memory_space<vmem>>
      %dma_start3A_23 = tpu.memref_squeeze %dma_start3A_22 : memref<1x125xi32, #tpu.memory_space<vmem>> -> memref<125xi32, #tpu.memory_space<vmem>>
      %dma_start3A_24 = arith.constant 0 : i32
      %dma_start3A_25 = arith.constant 0 : i32
      %dma_start3A_26 = tpu.memref_slice %arg2[%dma_start3A_24, %dma_start3A_25] : memref<65536x32xf32, #tpu.memory_space<hbm>> -> memref<65536x32xf32, #tpu.memory_space<hbm>>
      tpu.enqueue_indirect_dma source(%dma_start3A_26 : memref<65536x32xf32, #tpu.memory_space<hbm>>) target(%dma_start3A_20 : memref<125x32xf32, #tpu.memory_space<vmem>>) offsets(%dma_start3A_23 : memref<125xi32, #tpu.memory_space<vmem>>) semaphore(%arg11 : memref<!tpu.dma_semaphore, #tpu.memory_space<semaphore_mem>>)
      %dma_start3A_27 = arith.constant 0 : i32
      %dma_start3A_28 = arith.constant 0 : i32
      %dma_start3A_29 = arith.constant 0 : i32
      %dma_start3A_30 = tpu.memref_slice %arg10[%dma_start3A_28, %dma_start3A_29] : memref<1000x32xf32, #tpu.memory_space<vmem>> -> memref<125x32xf32, #tpu.memory_space<vmem>>
      %dma_start3A_31 = arith.constant 0 : i32
      %dma_start3A_32 = tpu.memref_slice %arg8[%dma_start3A_27, %dma_start3A_31] : memref<8x125xi32, #tpu.memory_space<vmem>> -> memref<1x125xi32, #tpu.memory_space<vmem>>
      %dma_start3A_33 = tpu.memref_squeeze %dma_start3A_32 : memref<1x125xi32, #tpu.memory_space<vmem>> -> memref<125xi32, #tpu.memory_space<vmem>>
      %dma_start3A_34 = arith.constant 0 : i32
      %dma_start3A_35 = arith.constant 0 : i32
      %dma_start3A_36 = tpu.memref_slice %arg3[%dma_start3A_34, %dma_start3A_35] : memref<256x32xf32, #tpu.memory_space<hbm>> -> memref<256x32xf32, #tpu.memory_space<hbm>>
      tpu.enqueue_indirect_dma source(%dma_start3A_36 : memref<256x32xf32, #tpu.memory_space<hbm>>) target(%dma_start3A_30 : memref<125x32xf32, #tpu.memory_space<vmem>>) offsets(%dma_start3A_33 : memref<125xi32, #tpu.memory_space<vmem>>) semaphore(%arg11 : memref<!tpu.dma_semaphore, #tpu.memory_space<semaphore_mem>>)
      %dma_start3A_37 = arith.constant 1 : i32
      %dma_start3A_38 = arith.constant 125 : i32
      %dma_start3A_39 = arith.constant 0 : i32
      %dma_start3A_40 = tpu.memref_slice %arg9[%dma_start3A_38, %dma_start3A_39] : memref<1000x32xf32, #tpu.memory_space<vmem>> -> memref<125x32xf32, #tpu.memory_space<vmem>>
      %dma_start3A_41 = arith.constant 0 : i32
      %dma_start3A_42 = tpu.memref_slice %arg7[%dma_start3A_37, %dma_start3A_41] : memref<8x125xi32, #tpu.memory_space<vmem>> -> memref<1x125xi32, #tpu.memory_space<vmem>>
      %dma_start3A_43 = tpu.memref_squeeze %dma_start3A_42 : memref<1x125xi32, #tpu.memory_space<vmem>> -> memref<125xi32, #tpu.memory_space<vmem>>
      %dma_start3A_44 = arith.constant 0 : i32
      %dma_start3A_45 = arith.constant 0 : i32
      %dma_start3A_46 = tpu.memref_slice %arg2[%dma_start3A_44, %dma_start3A_45] : memref<65536x32xf32, #tpu.memory_space<hbm>> -> memref<65536x32xf32, #tpu.memory_space<hbm>>
      tpu.enqueue_indirect_dma source(%dma_start3A_46 : memref<65536x32xf32, #tpu.memory_space<hbm>>) target(%dma_start3A_40 : memref<125x32xf32, #tpu.memory_space<vmem>>) offsets(%dma_start3A_43 : memref<125xi32, #tpu.memory_space<vmem>>) semaphore(%arg11 : memref<!tpu.dma_semaphore, #tpu.memory_space<semaphore_mem>>)
      %dma_start3A_47 = arith.constant 1 : i32
      %dma_start3A_48 = arith.constant 125 : i32
      %dma_start3A_49 = arith.constant 0 : i32
      %dma_start3A_50 = tpu.memref_slice %arg10[%dma_start3A_48, %dma_start3A_49] : memref<1000x32xf32, #tpu.memory_space<vmem>> -> memref<125x32xf32, #tpu.memory_space<vmem>>
      %dma_start3A_51 = arith.constant 0 : i32
      %dma_start3A_52 = tpu.memref_slice %arg8[%dma_start3A_47, %dma_start3A_51] : memref<8x125xi32, #tpu.memory_space<vmem>> -> memref<1x125xi32, #tpu.memory_space<vmem>>
      %dma_start3A_53 = tpu.memref_squeeze %dma_start3A_52 : memref<1x125xi32, #tpu.memory_space<vmem>> -> memref<125xi32, #tpu.memory_space<vmem>>
      %dma_start3A_54 = arith.constant 0 : i32
      %dma_start3A_55 = arith.constant 0 : i32
      %dma_start3A_56 = tpu.memref_slice %arg3[%dma_start3A_54, %dma_start3A_55] : memref<256x32xf32, #tpu.memory_space<hbm>> -> memref<256x32xf32, #tpu.memory_space<hbm>>
      tpu.enqueue_indirect_dma source(%dma_start3A_56 : memref<256x32xf32, #tpu.memory_space<hbm>>) target(%dma_start3A_50 : memref<125x32xf32, #tpu.memory_space<vmem>>) offsets(%dma_start3A_53 : memref<125xi32, #tpu.memory_space<vmem>>) semaphore(%arg11 : memref<!tpu.dma_semaphore, #tpu.memory_space<semaphore_mem>>)
      %dma_start3A_57 = arith.constant 2 : i32
      %dma_start3A_58 = arith.constant 250 : i32
      %dma_start3A_59 = arith.constant 0 : i32
      %dma_start3A_60 = tpu.memref_slice %arg9[%dma_start3A_58, %dma_start3A_59] : memref<1000x32xf32, #tpu.memory_space<vmem>> -> memref<125x32xf32, #tpu.memory_space<vmem>>
      %dma_start3A_61 = arith.constant 0 : i32
      %dma_start3A_62 = tpu.memref_slice %arg7[%dma_start3A_57, %dma_start3A_61] : memref<8x125xi32, #tpu.memory_space<vmem>> -> memref<1x125xi32, #tpu.memory_space<vmem>>
      %dma_start3A_63 = tpu.memref_squeeze %dma_start3A_62 : memref<1x125xi32, #tpu.memory_space<vmem>> -> memref<125xi32, #tpu.memory_space<vmem>>
      %dma_start3A_64 = arith.constant 0 : i32
      %dma_start3A_65 = arith.constant 0 : i32
      %dma_start3A_66 = tpu.memref_slice %arg2[%dma_start3A_64, %dma_start3A_65] : memref<65536x32xf32, #tpu.memory_space<hbm>> -> memref<65536x32xf32, #tpu.memory_space<hbm>>
      tpu.enqueue_indirect_dma source(%dma_start3A_66 : memref<65536x32xf32, #tpu.memory_space<hbm>>) target(%dma_start3A_60 : memref<125x32xf32, #tpu.memory_space<vmem>>) offsets(%dma_start3A_63 : memref<125xi32, #tpu.memory_space<vmem>>) semaphore(%arg11 : memref<!tpu.dma_semaphore, #tpu.memory_space<semaphore_mem>>)
      %dma_start3A_67 = arith.constant 2 : i32
      %dma_start3A_68 = arith.constant 250 : i32
      %dma_start3A_69 = arith.constant 0 : i32
      %dma_start3A_70 = tpu.memref_slice %arg10[%dma_start3A_68, %dma_start3A_69] : memref<1000x32xf32, #tpu.memory_space<vmem>> -> memref<125x32xf32, #tpu.memory_space<vmem>>
      %dma_start3A_71 = arith.constant 0 : i32
      %dma_start3A_72 = tpu.memref_slice %arg8[%dma_start3A_67, %dma_start3A_71] : memref<8x125xi32, #tpu.memory_space<vmem>> -> memref<1x125xi32, #tpu.memory_space<vmem>>
      %dma_start3A_73 = tpu.memref_squeeze %dma_start3A_72 : memref<1x125xi32, #tpu.memory_space<vmem>> -> memref<125xi32, #tpu.memory_space<vmem>>
      %dma_start3A_74 = arith.constant 0 : i32
      %dma_start3A_75 = arith.constant 0 : i32
      %dma_start3A_76 = tpu.memref_slice %arg3[%dma_start3A_74, %dma_start3A_75] : memref<256x32xf32, #tpu.memory_space<hbm>> -> memref<256x32xf32, #tpu.memory_space<hbm>>
      tpu.enqueue_indirect_dma source(%dma_start3A_76 : memref<256x32xf32, #tpu.memory_space<hbm>>) target(%dma_start3A_70 : memref<125x32xf32, #tpu.memory_space<vmem>>) offsets(%dma_start3A_73 : memref<125xi32, #tpu.memory_space<vmem>>) semaphore(%arg11 : memref<!tpu.dma_semaphore, #tpu.memory_space<semaphore_mem>>)
      %dma_start3A_77 = arith.constant 3 : i32
      %dma_start3A_78 = arith.constant 375 : i32
      %dma_start3A_79 = arith.constant 0 : i32
      %dma_start3A_80 = tpu.memref_slice %arg9[%dma_start3A_78, %dma_start3A_79] : memref<1000x32xf32, #tpu.memory_space<vmem>> -> memref<125x32xf32, #tpu.memory_space<vmem>>
      %dma_start3A_81 = arith.constant 0 : i32
      %dma_start3A_82 = tpu.memref_slice %arg7[%dma_start3A_77, %dma_start3A_81] : memref<8x125xi32, #tpu.memory_space<vmem>> -> memref<1x125xi32, #tpu.memory_space<vmem>>
      %dma_start3A_83 = tpu.memref_squeeze %dma_start3A_82 : memref<1x125xi32, #tpu.memory_space<vmem>> -> memref<125xi32, #tpu.memory_space<vmem>>
      %dma_start3A_84 = arith.constant 0 : i32
      %dma_start3A_85 = arith.constant 0 : i32
      %dma_start3A_86 = tpu.memref_slice %arg2[%dma_start3A_84, %dma_start3A_85] : memref<65536x32xf32, #tpu.memory_space<hbm>> -> memref<65536x32xf32, #tpu.memory_space<hbm>>
      tpu.enqueue_indirect_dma source(%dma_start3A_86 : memref<65536x32xf32, #tpu.memory_space<hbm>>) target(%dma_start3A_80 : memref<125x32xf32, #tpu.memory_space<vmem>>) offsets(%dma_start3A_83 : memref<125xi32, #tpu.memory_space<vmem>>) semaphore(%arg11 : memref<!tpu.dma_semaphore, #tpu.memory_space<semaphore_mem>>)
      %dma_start3A_87 = arith.constant 3 : i32
      %dma_start3A_88 = arith.constant 375 : i32
      %dma_start3A_89 = arith.constant 0 : i32
      %dma_start3A_90 = tpu.memref_slice %arg10[%dma_start3A_88, %dma_start3A_89] : memref<1000x32xf32, #tpu.memory_space<vmem>> -> memref<125x32xf32, #tpu.memory_space<vmem>>
      %dma_start3A_91 = arith.constant 0 : i32
      %dma_start3A_92 = tpu.memref_slice %arg8[%dma_start3A_87, %dma_start3A_91] : memref<8x125xi32, #tpu.memory_space<vmem>> -> memref<1x125xi32, #tpu.memory_space<vmem>>
      %dma_start3A_93 = tpu.memref_squeeze %dma_start3A_92 : memref<1x125xi32, #tpu.memory_space<vmem>> -> memref<125xi32, #tpu.memory_space<vmem>>
      %dma_start3A_94 = arith.constant 0 : i32
      %dma_start3A_95 = arith.constant 0 : i32
      %dma_start3A_96 = tpu.memref_slice %arg3[%dma_start3A_94, %dma_start3A_95] : memref<256x32xf32, #tpu.memory_space<hbm>> -> memref<256x32xf32, #tpu.memory_space<hbm>>
      tpu.enqueue_indirect_dma source(%dma_start3A_96 : memref<256x32xf32, #tpu.memory_space<hbm>>) target(%dma_start3A_90 : memref<125x32xf32, #tpu.memory_space<vmem>>) offsets(%dma_start3A_93 : memref<125xi32, #tpu.memory_space<vmem>>) semaphore(%arg11 : memref<!tpu.dma_semaphore, #tpu.memory_space<semaphore_mem>>)
      %dma_start3A_97 = arith.constant 4 : i32
      %dma_start3A_98 = arith.constant 500 : i32
      %dma_start3A_99 = arith.constant 0 : i32
      %dma_start3A_100 = tpu.memref_slice %arg9[%dma_start3A_98, %dma_start3A_99] : memref<1000x32xf32, #tpu.memory_space<vmem>> -> memref<125x32xf32, #tpu.memory_space<vmem>>
      %dma_start3A_101 = arith.constant 0 : i32
      %dma_start3A_102 = tpu.memref_slice %arg7[%dma_start3A_97, %dma_start3A_101] : memref<8x125xi32, #tpu.memory_space<vmem>> -> memref<1x125xi32, #tpu.memory_space<vmem>>
      %dma_start3A_103 = tpu.memref_squeeze %dma_start3A_102 : memref<1x125xi32, #tpu.memory_space<vmem>> -> memref<125xi32, #tpu.memory_space<vmem>>
      %dma_start3A_104 = arith.constant 0 : i32
      %dma_start3A_105 = arith.constant 0 : i32
      %dma_start3A_106 = tpu.memref_slice %arg2[%dma_start3A_104, %dma_start3A_105] : memref<65536x32xf32, #tpu.memory_space<hbm>> -> memref<65536x32xf32, #tpu.memory_space<hbm>>
      tpu.enqueue_indirect_dma source(%dma_start3A_106 : memref<65536x32xf32, #tpu.memory_space<hbm>>) target(%dma_start3A_100 : memref<125x32xf32, #tpu.memory_space<vmem>>) offsets(%dma_start3A_103 : memref<125xi32, #tpu.memory_space<vmem>>) semaphore(%arg11 : memref<!tpu.dma_semaphore, #tpu.memory_space<semaphore_mem>>)
      %dma_start3A_107 = arith.constant 4 : i32
      %dma_start3A_108 = arith.constant 500 : i32
      %dma_start3A_109 = arith.constant 0 : i32
      %dma_start3A_110 = tpu.memref_slice %arg10[%dma_start3A_108, %dma_start3A_109] : memref<1000x32xf32, #tpu.memory_space<vmem>> -> memref<125x32xf32, #tpu.memory_space<vmem>>
      %dma_start3A_111 = arith.constant 0 : i32
      %dma_start3A_112 = tpu.memref_slice %arg8[%dma_start3A_107, %dma_start3A_111] : memref<8x125xi32, #tpu.memory_space<vmem>> -> memref<1x125xi32, #tpu.memory_space<vmem>>
      %dma_start3A_113 = tpu.memref_squeeze %dma_start3A_112 : memref<1x125xi32, #tpu.memory_space<vmem>> -> memref<125xi32, #tpu.memory_space<vmem>>
      %dma_start3A_114 = arith.constant 0 : i32
      %dma_start3A_115 = arith.constant 0 : i32
      %dma_start3A_116 = tpu.memref_slice %arg3[%dma_start3A_114, %dma_start3A_115] : memref<256x32xf32, #tpu.memory_space<hbm>> -> memref<256x32xf32, #tpu.memory_space<hbm>>
      tpu.enqueue_indirect_dma source(%dma_start3A_116 : memref<256x32xf32, #tpu.memory_space<hbm>>) target(%dma_start3A_110 : memref<125x32xf32, #tpu.memory_space<vmem>>) offsets(%dma_start3A_113 : memref<125xi32, #tpu.memory_space<vmem>>) semaphore(%arg11 : memref<!tpu.dma_semaphore, #tpu.memory_space<semaphore_mem>>)
      %dma_start3A_117 = arith.constant 5 : i32
      %dma_start3A_118 = arith.constant 625 : i32
      %dma_start3A_119 = arith.constant 0 : i32
      %dma_start3A_120 = tpu.memref_slice %arg9[%dma_start3A_118, %dma_start3A_119] : memref<1000x32xf32, #tpu.memory_space<vmem>> -> memref<125x32xf32, #tpu.memory_space<vmem>>
      %dma_start3A_121 = arith.constant 0 : i32
      %dma_start3A_122 = tpu.memref_slice %arg7[%dma_start3A_117, %dma_start3A_121] : memref<8x125xi32, #tpu.memory_space<vmem>> -> memref<1x125xi32, #tpu.memory_space<vmem>>
      %dma_start3A_123 = tpu.memref_squeeze %dma_start3A_122 : memref<1x125xi32, #tpu.memory_space<vmem>> -> memref<125xi32, #tpu.memory_space<vmem>>
      %dma_start3A_124 = arith.constant 0 : i32
      %dma_start3A_125 = arith.constant 0 : i32
      %dma_start3A_126 = tpu.memref_slice %arg2[%dma_start3A_124, %dma_start3A_125] : memref<65536x32xf32, #tpu.memory_space<hbm>> -> memref<65536x32xf32, #tpu.memory_space<hbm>>
      tpu.enqueue_indirect_dma source(%dma_start3A_126 : memref<65536x32xf32, #tpu.memory_space<hbm>>) target(%dma_start3A_120 : memref<125x32xf32, #tpu.memory_space<vmem>>) offsets(%dma_start3A_123 : memref<125xi32, #tpu.memory_space<vmem>>) semaphore(%arg11 : memref<!tpu.dma_semaphore, #tpu.memory_space<semaphore_mem>>)
      %dma_start3A_127 = arith.constant 5 : i32
      %dma_start3A_128 = arith.constant 625 : i32
      %dma_start3A_129 = arith.constant 0 : i32
      %dma_start3A_130 = tpu.memref_slice %arg10[%dma_start3A_128, %dma_start3A_129] : memref<1000x32xf32, #tpu.memory_space<vmem>> -> memref<125x32xf32, #tpu.memory_space<vmem>>
      %dma_start3A_131 = arith.constant 0 : i32
      %dma_start3A_132 = tpu.memref_slice %arg8[%dma_start3A_127, %dma_start3A_131] : memref<8x125xi32, #tpu.memory_space<vmem>> -> memref<1x125xi32, #tpu.memory_space<vmem>>
      %dma_start3A_133 = tpu.memref_squeeze %dma_start3A_132 : memref<1x125xi32, #tpu.memory_space<vmem>> -> memref<125xi32, #tpu.memory_space<vmem>>
      %dma_start3A_134 = arith.constant 0 : i32
      %dma_start3A_135 = arith.constant 0 : i32
      %dma_start3A_136 = tpu.memref_slice %arg3[%dma_start3A_134, %dma_start3A_135] : memref<256x32xf32, #tpu.memory_space<hbm>> -> memref<256x32xf32, #tpu.memory_space<hbm>>
      tpu.enqueue_indirect_dma source(%dma_start3A_136 : memref<256x32xf32, #tpu.memory_space<hbm>>) target(%dma_start3A_130 : memref<125x32xf32, #tpu.memory_space<vmem>>) offsets(%dma_start3A_133 : memref<125xi32, #tpu.memory_space<vmem>>) semaphore(%arg11 : memref<!tpu.dma_semaphore, #tpu.memory_space<semaphore_mem>>)
      %dma_start3A_137 = arith.constant 6 : i32
      %dma_start3A_138 = arith.constant 750 : i32
      %dma_start3A_139 = arith.constant 0 : i32
      %dma_start3A_140 = tpu.memref_slice %arg9[%dma_start3A_138, %dma_start3A_139] : memref<1000x32xf32, #tpu.memory_space<vmem>> -> memref<125x32xf32, #tpu.memory_space<vmem>>
      %dma_start3A_141 = arith.constant 0 : i32
      %dma_start3A_142 = tpu.memref_slice %arg7[%dma_start3A_137, %dma_start3A_141] : memref<8x125xi32, #tpu.memory_space<vmem>> -> memref<1x125xi32, #tpu.memory_space<vmem>>
      %dma_start3A_143 = tpu.memref_squeeze %dma_start3A_142 : memref<1x125xi32, #tpu.memory_space<vmem>> -> memref<125xi32, #tpu.memory_space<vmem>>
      %dma_start3A_144 = arith.constant 0 : i32
      %dma_start3A_145 = arith.constant 0 : i32
      %dma_start3A_146 = tpu.memref_slice %arg2[%dma_start3A_144, %dma_start3A_145] : memref<65536x32xf32, #tpu.memory_space<hbm>> -> memref<65536x32xf32, #tpu.memory_space<hbm>>
      tpu.enqueue_indirect_dma source(%dma_start3A_146 : memref<65536x32xf32, #tpu.memory_space<hbm>>) target(%dma_start3A_140 : memref<125x32xf32, #tpu.memory_space<vmem>>) offsets(%dma_start3A_143 : memref<125xi32, #tpu.memory_space<vmem>>) semaphore(%arg11 : memref<!tpu.dma_semaphore, #tpu.memory_space<semaphore_mem>>)
      %dma_start3A_147 = arith.constant 6 : i32
      %dma_start3A_148 = arith.constant 750 : i32
      %dma_start3A_149 = arith.constant 0 : i32
      %dma_start3A_150 = tpu.memref_slice %arg10[%dma_start3A_148, %dma_start3A_149] : memref<1000x32xf32, #tpu.memory_space<vmem>> -> memref<125x32xf32, #tpu.memory_space<vmem>>
      %dma_start3A_151 = arith.constant 0 : i32
      %dma_start3A_152 = tpu.memref_slice %arg8[%dma_start3A_147, %dma_start3A_151] : memref<8x125xi32, #tpu.memory_space<vmem>> -> memref<1x125xi32, #tpu.memory_space<vmem>>
      %dma_start3A_153 = tpu.memref_squeeze %dma_start3A_152 : memref<1x125xi32, #tpu.memory_space<vmem>> -> memref<125xi32, #tpu.memory_space<vmem>>
      %dma_start3A_154 = arith.constant 0 : i32
      %dma_start3A_155 = arith.constant 0 : i32
      %dma_start3A_156 = tpu.memref_slice %arg3[%dma_start3A_154, %dma_start3A_155] : memref<256x32xf32, #tpu.memory_space<hbm>> -> memref<256x32xf32, #tpu.memory_space<hbm>>
      tpu.enqueue_indirect_dma source(%dma_start3A_156 : memref<256x32xf32, #tpu.memory_space<hbm>>) target(%dma_start3A_150 : memref<125x32xf32, #tpu.memory_space<vmem>>) offsets(%dma_start3A_153 : memref<125xi32, #tpu.memory_space<vmem>>) semaphore(%arg11 : memref<!tpu.dma_semaphore, #tpu.memory_space<semaphore_mem>>)
      %dma_start3A_157 = arith.constant 7 : i32
      %dma_start3A_158 = arith.constant 875 : i32
      %dma_start3A_159 = arith.constant 0 : i32
      %dma_start3A_160 = tpu.memref_slice %arg9[%dma_start3A_158, %dma_start3A_159] : memref<1000x32xf32, #tpu.memory_space<vmem>> -> memref<125x32xf32, #tpu.memory_space<vmem>>
      %dma_start3A_161 = arith.constant 0 : i32
      %dma_start3A_162 = tpu.memref_slice %arg7[%dma_start3A_157, %dma_start3A_161] : memref<8x125xi32, #tpu.memory_space<vmem>> -> memref<1x125xi32, #tpu.memory_space<vmem>>
      %dma_start3A_163 = tpu.memref_squeeze %dma_start3A_162 : memref<1x125xi32, #tpu.memory_space<vmem>> -> memref<125xi32, #tpu.memory_space<vmem>>
      %dma_start3A_164 = arith.constant 0 : i32
      %dma_start3A_165 = arith.constant 0 : i32
      %dma_start3A_166 = tpu.memref_slice %arg2[%dma_start3A_164, %dma_start3A_165] : memref<65536x32xf32, #tpu.memory_space<hbm>> -> memref<65536x32xf32, #tpu.memory_space<hbm>>
      tpu.enqueue_indirect_dma source(%dma_start3A_166 : memref<65536x32xf32, #tpu.memory_space<hbm>>) target(%dma_start3A_160 : memref<125x32xf32, #tpu.memory_space<vmem>>) offsets(%dma_start3A_163 : memref<125xi32, #tpu.memory_space<vmem>>) semaphore(%arg11 : memref<!tpu.dma_semaphore, #tpu.memory_space<semaphore_mem>>)
      %dma_start3A_167 = arith.constant 7 : i32
      %dma_start3A_168 = arith.constant 875 : i32
      %dma_start3A_169 = arith.constant 0 : i32
      %dma_start3A_170 = tpu.memref_slice %arg10[%dma_start3A_168, %dma_start3A_169] : memref<1000x32xf32, #tpu.memory_space<vmem>> -> memref<125x32xf32, #tpu.memory_space<vmem>>
      %dma_start3A_171 = arith.constant 0 : i32
      %dma_start3A_172 = tpu.memref_slice %arg8[%dma_start3A_167, %dma_start3A_171] : memref<8x125xi32, #tpu.memory_space<vmem>> -> memref<1x125xi32, #tpu.memory_space<vmem>>
      %dma_start3A_173 = tpu.memref_squeeze %dma_start3A_172 : memref<1x125xi32, #tpu.memory_space<vmem>> -> memref<125xi32, #tpu.memory_space<vmem>>
      %dma_start3A_174 = arith.constant 0 : i32
      %dma_start3A_175 = arith.constant 0 : i32
      %dma_start3A_176 = tpu.memref_slice %arg3[%dma_start3A_174, %dma_start3A_175] : memref<256x32xf32, #tpu.memory_space<hbm>> -> memref<256x32xf32, #tpu.memory_space<hbm>>
      tpu.enqueue_indirect_dma source(%dma_start3A_176 : memref<256x32xf32, #tpu.memory_space<hbm>>) target(%dma_start3A_170 : memref<125x32xf32, #tpu.memory_space<vmem>>) offsets(%dma_start3A_173 : memref<125xi32, #tpu.memory_space<vmem>>) semaphore(%arg11 : memref<!tpu.dma_semaphore, #tpu.memory_space<semaphore_mem>>)
      %dma_wait3A = arith.constant 0 : i32
      %dma_wait3A_177 = arith.constant 0 : i32
      %dma_wait3A_178 = arith.constant 0 : i32
      %dma_wait3A_179 = tpu.memref_slice %arg9[%dma_wait3A_177, %dma_wait3A_178] : memref<1000x32xf32, #tpu.memory_space<vmem>> -> memref<125x32xf32, #tpu.memory_space<vmem>>
      %dma_wait3A_180 = arith.constant 0 : i32
      %dma_wait3A_181 = tpu.memref_slice %arg7[%dma_wait3A, %dma_wait3A_180] : memref<8x125xi32, #tpu.memory_space<vmem>> -> memref<1x125xi32, #tpu.memory_space<vmem>>
      %dma_wait3A_182 = tpu.memref_squeeze %dma_wait3A_181 : memref<1x125xi32, #tpu.memory_space<vmem>> -> memref<125xi32, #tpu.memory_space<vmem>>
      %dma_wait3A_183 = arith.constant 0 : i32
      %dma_wait3A_184 = arith.constant 0 : i32
      %dma_wait3A_185 = tpu.memref_slice %arg2[%dma_wait3A_183, %dma_wait3A_184] : memref<65536x32xf32, #tpu.memory_space<hbm>> -> memref<65536x32xf32, #tpu.memory_space<hbm>>
      tpu.wait_indirect_dma semaphore(%arg11 : memref<!tpu.dma_semaphore, #tpu.memory_space<semaphore_mem>>) src(%dma_wait3A_185 : memref<65536x32xf32, #tpu.memory_space<hbm>>) dst(%dma_wait3A_179 : memref<125x32xf32, #tpu.memory_space<vmem>>)
      %dma_wait3A_186 = arith.constant 0 : i32
      %dma_wait3A_187 = arith.constant 0 : i32
      %dma_wait3A_188 = arith.constant 0 : i32
      %dma_wait3A_189 = tpu.memref_slice %arg10[%dma_wait3A_187, %dma_wait3A_188] : memref<1000x32xf32, #tpu.memory_space<vmem>> -> memref<125x32xf32, #tpu.memory_space<vmem>>
      %dma_wait3A_190 = arith.constant 0 : i32
      %dma_wait3A_191 = tpu.memref_slice %arg8[%dma_wait3A_186, %dma_wait3A_190] : memref<8x125xi32, #tpu.memory_space<vmem>> -> memref<1x125xi32, #tpu.memory_space<vmem>>
      %dma_wait3A_192 = tpu.memref_squeeze %dma_wait3A_191 : memref<1x125xi32, #tpu.memory_space<vmem>> -> memref<125xi32, #tpu.memory_space<vmem>>
      %dma_wait3A_193 = arith.constant 0 : i32
      %dma_wait3A_194 = arith.constant 0 : i32
      %dma_wait3A_195 = tpu.memref_slice %arg3[%dma_wait3A_193, %dma_wait3A_194] : memref<256x32xf32, #tpu.memory_space<hbm>> -> memref<256x32xf32, #tpu.memory_space<hbm>>
      tpu.wait_indirect_dma semaphore(%arg11 : memref<!tpu.dma_semaphore, #tpu.memory_space<semaphore_mem>>) src(%dma_wait3A_195 : memref<256x32xf32, #tpu.memory_space<hbm>>) dst(%dma_wait3A_189 : memref<125x32xf32, #tpu.memory_space<vmem>>)
      %dma_wait3A_196 = arith.constant 1 : i32
      %dma_wait3A_197 = arith.constant 125 : i32
      %dma_wait3A_198 = arith.constant 0 : i32
      %dma_wait3A_199 = tpu.memref_slice %arg9[%dma_wait3A_197, %dma_wait3A_198] : memref<1000x32xf32, #tpu.memory_space<vmem>> -> memref<125x32xf32, #tpu.memory_space<vmem>>
      %dma_wait3A_200 = arith.constant 0 : i32
      %dma_wait3A_201 = tpu.memref_slice %arg7[%dma_wait3A_196, %dma_wait3A_200] : memref<8x125xi32, #tpu.memory_space<vmem>> -> memref<1x125xi32, #tpu.memory_space<vmem>>
      %dma_wait3A_202 = tpu.memref_squeeze %dma_wait3A_201 : memref<1x125xi32, #tpu.memory_space<vmem>> -> memref<125xi32, #tpu.memory_space<vmem>>
      %dma_wait3A_203 = arith.constant 0 : i32
      %dma_wait3A_204 = arith.constant 0 : i32
      %dma_wait3A_205 = tpu.memref_slice %arg2[%dma_wait3A_203, %dma_wait3A_204] : memref<65536x32xf32, #tpu.memory_space<hbm>> -> memref<65536x32xf32, #tpu.memory_space<hbm>>
      tpu.wait_indirect_dma semaphore(%arg11 : memref<!tpu.dma_semaphore, #tpu.memory_space<semaphore_mem>>) src(%dma_wait3A_205 : memref<65536x32xf32, #tpu.memory_space<hbm>>) dst(%dma_wait3A_199 : memref<125x32xf32, #tpu.memory_space<vmem>>)
      %dma_wait3A_206 = arith.constant 1 : i32
      %dma_wait3A_207 = arith.constant 125 : i32
      %dma_wait3A_208 = arith.constant 0 : i32
      %dma_wait3A_209 = tpu.memref_slice %arg10[%dma_wait3A_207, %dma_wait3A_208] : memref<1000x32xf32, #tpu.memory_space<vmem>> -> memref<125x32xf32, #tpu.memory_space<vmem>>
      %dma_wait3A_210 = arith.constant 0 : i32
      %dma_wait3A_211 = tpu.memref_slice %arg8[%dma_wait3A_206, %dma_wait3A_210] : memref<8x125xi32, #tpu.memory_space<vmem>> -> memref<1x125xi32, #tpu.memory_space<vmem>>
      %dma_wait3A_212 = tpu.memref_squeeze %dma_wait3A_211 : memref<1x125xi32, #tpu.memory_space<vmem>> -> memref<125xi32, #tpu.memory_space<vmem>>
      %dma_wait3A_213 = arith.constant 0 : i32
      %dma_wait3A_214 = arith.constant 0 : i32
      %dma_wait3A_215 = tpu.memref_slice %arg3[%dma_wait3A_213, %dma_wait3A_214] : memref<256x32xf32, #tpu.memory_space<hbm>> -> memref<256x32xf32, #tpu.memory_space<hbm>>
      tpu.wait_indirect_dma semaphore(%arg11 : memref<!tpu.dma_semaphore, #tpu.memory_space<semaphore_mem>>) src(%dma_wait3A_215 : memref<256x32xf32, #tpu.memory_space<hbm>>) dst(%dma_wait3A_209 : memref<125x32xf32, #tpu.memory_space<vmem>>)
      %dma_wait3A_216 = arith.constant 2 : i32
      %dma_wait3A_217 = arith.constant 250 : i32
      %dma_wait3A_218 = arith.constant 0 : i32
      %dma_wait3A_219 = tpu.memref_slice %arg9[%dma_wait3A_217, %dma_wait3A_218] : memref<1000x32xf32, #tpu.memory_space<vmem>> -> memref<125x32xf32, #tpu.memory_space<vmem>>
      %dma_wait3A_220 = arith.constant 0 : i32
      %dma_wait3A_221 = tpu.memref_slice %arg7[%dma_wait3A_216, %dma_wait3A_220] : memref<8x125xi32, #tpu.memory_space<vmem>> -> memref<1x125xi32, #tpu.memory_space<vmem>>
      %dma_wait3A_222 = tpu.memref_squeeze %dma_wait3A_221 : memref<1x125xi32, #tpu.memory_space<vmem>> -> memref<125xi32, #tpu.memory_space<vmem>>
      %dma_wait3A_223 = arith.constant 0 : i32
      %dma_wait3A_224 = arith.constant 0 : i32
      %dma_wait3A_225 = tpu.memref_slice %arg2[%dma_wait3A_223, %dma_wait3A_224] : memref<65536x32xf32, #tpu.memory_space<hbm>> -> memref<65536x32xf32, #tpu.memory_space<hbm>>
      tpu.wait_indirect_dma semaphore(%arg11 : memref<!tpu.dma_semaphore, #tpu.memory_space<semaphore_mem>>) src(%dma_wait3A_225 : memref<65536x32xf32, #tpu.memory_space<hbm>>) dst(%dma_wait3A_219 : memref<125x32xf32, #tpu.memory_space<vmem>>)
      %dma_wait3A_226 = arith.constant 2 : i32
      %dma_wait3A_227 = arith.constant 250 : i32
      %dma_wait3A_228 = arith.constant 0 : i32
      %dma_wait3A_229 = tpu.memref_slice %arg10[%dma_wait3A_227, %dma_wait3A_228] : memref<1000x32xf32, #tpu.memory_space<vmem>> -> memref<125x32xf32, #tpu.memory_space<vmem>>
      %dma_wait3A_230 = arith.constant 0 : i32
      %dma_wait3A_231 = tpu.memref_slice %arg8[%dma_wait3A_226, %dma_wait3A_230] : memref<8x125xi32, #tpu.memory_space<vmem>> -> memref<1x125xi32, #tpu.memory_space<vmem>>
      %dma_wait3A_232 = tpu.memref_squeeze %dma_wait3A_231 : memref<1x125xi32, #tpu.memory_space<vmem>> -> memref<125xi32, #tpu.memory_space<vmem>>
      %dma_wait3A_233 = arith.constant 0 : i32
      %dma_wait3A_234 = arith.constant 0 : i32
      %dma_wait3A_235 = tpu.memref_slice %arg3[%dma_wait3A_233, %dma_wait3A_234] : memref<256x32xf32, #tpu.memory_space<hbm>> -> memref<256x32xf32, #tpu.memory_space<hbm>>
      tpu.wait_indirect_dma semaphore(%arg11 : memref<!tpu.dma_semaphore, #tpu.memory_space<semaphore_mem>>) src(%dma_wait3A_235 : memref<256x32xf32, #tpu.memory_space<hbm>>) dst(%dma_wait3A_229 : memref<125x32xf32, #tpu.memory_space<vmem>>)
      %dma_wait3A_236 = arith.constant 3 : i32
      %dma_wait3A_237 = arith.constant 375 : i32
      %dma_wait3A_238 = arith.constant 0 : i32
      %dma_wait3A_239 = tpu.memref_slice %arg9[%dma_wait3A_237, %dma_wait3A_238] : memref<1000x32xf32, #tpu.memory_space<vmem>> -> memref<125x32xf32, #tpu.memory_space<vmem>>
      %dma_wait3A_240 = arith.constant 0 : i32
      %dma_wait3A_241 = tpu.memref_slice %arg7[%dma_wait3A_236, %dma_wait3A_240] : memref<8x125xi32, #tpu.memory_space<vmem>> -> memref<1x125xi32, #tpu.memory_space<vmem>>
      %dma_wait3A_242 = tpu.memref_squeeze %dma_wait3A_241 : memref<1x125xi32, #tpu.memory_space<vmem>> -> memref<125xi32, #tpu.memory_space<vmem>>
      %dma_wait3A_243 = arith.constant 0 : i32
      %dma_wait3A_244 = arith.constant 0 : i32
      %dma_wait3A_245 = tpu.memref_slice %arg2[%dma_wait3A_243, %dma_wait3A_244] : memref<65536x32xf32, #tpu.memory_space<hbm>> -> memref<65536x32xf32, #tpu.memory_space<hbm>>
      tpu.wait_indirect_dma semaphore(%arg11 : memref<!tpu.dma_semaphore, #tpu.memory_space<semaphore_mem>>) src(%dma_wait3A_245 : memref<65536x32xf32, #tpu.memory_space<hbm>>) dst(%dma_wait3A_239 : memref<125x32xf32, #tpu.memory_space<vmem>>)
      %dma_wait3A_246 = arith.constant 3 : i32
      %dma_wait3A_247 = arith.constant 375 : i32
      %dma_wait3A_248 = arith.constant 0 : i32
      %dma_wait3A_249 = tpu.memref_slice %arg10[%dma_wait3A_247, %dma_wait3A_248] : memref<1000x32xf32, #tpu.memory_space<vmem>> -> memref<125x32xf32, #tpu.memory_space<vmem>>
      %dma_wait3A_250 = arith.constant 0 : i32
      %dma_wait3A_251 = tpu.memref_slice %arg8[%dma_wait3A_246, %dma_wait3A_250] : memref<8x125xi32, #tpu.memory_space<vmem>> -> memref<1x125xi32, #tpu.memory_space<vmem>>
      %dma_wait3A_252 = tpu.memref_squeeze %dma_wait3A_251 : memref<1x125xi32, #tpu.memory_space<vmem>> -> memref<125xi32, #tpu.memory_space<vmem>>
      %dma_wait3A_253 = arith.constant 0 : i32
      %dma_wait3A_254 = arith.constant 0 : i32
      %dma_wait3A_255 = tpu.memref_slice %arg3[%dma_wait3A_253, %dma_wait3A_254] : memref<256x32xf32, #tpu.memory_space<hbm>> -> memref<256x32xf32, #tpu.memory_space<hbm>>
      tpu.wait_indirect_dma semaphore(%arg11 : memref<!tpu.dma_semaphore, #tpu.memory_space<semaphore_mem>>) src(%dma_wait3A_255 : memref<256x32xf32, #tpu.memory_space<hbm>>) dst(%dma_wait3A_249 : memref<125x32xf32, #tpu.memory_space<vmem>>)
      %dma_wait3A_256 = arith.constant 4 : i32
      %dma_wait3A_257 = arith.constant 500 : i32
      %dma_wait3A_258 = arith.constant 0 : i32
      %dma_wait3A_259 = tpu.memref_slice %arg9[%dma_wait3A_257, %dma_wait3A_258] : memref<1000x32xf32, #tpu.memory_space<vmem>> -> memref<125x32xf32, #tpu.memory_space<vmem>>
      %dma_wait3A_260 = arith.constant 0 : i32
      %dma_wait3A_261 = tpu.memref_slice %arg7[%dma_wait3A_256, %dma_wait3A_260] : memref<8x125xi32, #tpu.memory_space<vmem>> -> memref<1x125xi32, #tpu.memory_space<vmem>>
      %dma_wait3A_262 = tpu.memref_squeeze %dma_wait3A_261 : memref<1x125xi32, #tpu.memory_space<vmem>> -> memref<125xi32, #tpu.memory_space<vmem>>
      %dma_wait3A_263 = arith.constant 0 : i32
      %dma_wait3A_264 = arith.constant 0 : i32
      %dma_wait3A_265 = tpu.memref_slice %arg2[%dma_wait3A_263, %dma_wait3A_264] : memref<65536x32xf32, #tpu.memory_space<hbm>> -> memref<65536x32xf32, #tpu.memory_space<hbm>>
      tpu.wait_indirect_dma semaphore(%arg11 : memref<!tpu.dma_semaphore, #tpu.memory_space<semaphore_mem>>) src(%dma_wait3A_265 : memref<65536x32xf32, #tpu.memory_space<hbm>>) dst(%dma_wait3A_259 : memref<125x32xf32, #tpu.memory_space<vmem>>)
      %dma_wait3A_266 = arith.constant 4 : i32
      %dma_wait3A_267 = arith.constant 500 : i32
      %dma_wait3A_268 = arith.constant 0 : i32
      %dma_wait3A_269 = tpu.memref_slice %arg10[%dma_wait3A_267, %dma_wait3A_268] : memref<1000x32xf32, #tpu.memory_space<vmem>> -> memref<125x32xf32, #tpu.memory_space<vmem>>
      %dma_wait3A_270 = arith.constant 0 : i32
      %dma_wait3A_271 = tpu.memref_slice %arg8[%dma_wait3A_266, %dma_wait3A_270] : memref<8x125xi32, #tpu.memory_space<vmem>> -> memref<1x125xi32, #tpu.memory_space<vmem>>
      %dma_wait3A_272 = tpu.memref_squeeze %dma_wait3A_271 : memref<1x125xi32, #tpu.memory_space<vmem>> -> memref<125xi32, #tpu.memory_space<vmem>>
      %dma_wait3A_273 = arith.constant 0 : i32
      %dma_wait3A_274 = arith.constant 0 : i32
      %dma_wait3A_275 = tpu.memref_slice %arg3[%dma_wait3A_273, %dma_wait3A_274] : memref<256x32xf32, #tpu.memory_space<hbm>> -> memref<256x32xf32, #tpu.memory_space<hbm>>
      tpu.wait_indirect_dma semaphore(%arg11 : memref<!tpu.dma_semaphore, #tpu.memory_space<semaphore_mem>>) src(%dma_wait3A_275 : memref<256x32xf32, #tpu.memory_space<hbm>>) dst(%dma_wait3A_269 : memref<125x32xf32, #tpu.memory_space<vmem>>)
      %dma_wait3A_276 = arith.constant 5 : i32
      %dma_wait3A_277 = arith.constant 625 : i32
      %dma_wait3A_278 = arith.constant 0 : i32
      %dma_wait3A_279 = tpu.memref_slice %arg9[%dma_wait3A_277, %dma_wait3A_278] : memref<1000x32xf32, #tpu.memory_space<vmem>> -> memref<125x32xf32, #tpu.memory_space<vmem>>
      %dma_wait3A_280 = arith.constant 0 : i32
      %dma_wait3A_281 = tpu.memref_slice %arg7[%dma_wait3A_276, %dma_wait3A_280] : memref<8x125xi32, #tpu.memory_space<vmem>> -> memref<1x125xi32, #tpu.memory_space<vmem>>
      %dma_wait3A_282 = tpu.memref_squeeze %dma_wait3A_281 : memref<1x125xi32, #tpu.memory_space<vmem>> -> memref<125xi32, #tpu.memory_space<vmem>>
      %dma_wait3A_283 = arith.constant 0 : i32
      %dma_wait3A_284 = arith.constant 0 : i32
      %dma_wait3A_285 = tpu.memref_slice %arg2[%dma_wait3A_283, %dma_wait3A_284] : memref<65536x32xf32, #tpu.memory_space<hbm>> -> memref<65536x32xf32, #tpu.memory_space<hbm>>
      tpu.wait_indirect_dma semaphore(%arg11 : memref<!tpu.dma_semaphore, #tpu.memory_space<semaphore_mem>>) src(%dma_wait3A_285 : memref<65536x32xf32, #tpu.memory_space<hbm>>) dst(%dma_wait3A_279 : memref<125x32xf32, #tpu.memory_space<vmem>>)
      %dma_wait3A_286 = arith.constant 5 : i32
      %dma_wait3A_287 = arith.constant 625 : i32
      %dma_wait3A_288 = arith.constant 0 : i32
      %dma_wait3A_289 = tpu.memref_slice %arg10[%dma_wait3A_287, %dma_wait3A_288] : memref<1000x32xf32, #tpu.memory_space<vmem>> -> memref<125x32xf32, #tpu.memory_space<vmem>>
      %dma_wait3A_290 = arith.constant 0 : i32
      %dma_wait3A_291 = tpu.memref_slice %arg8[%dma_wait3A_286, %dma_wait3A_290] : memref<8x125xi32, #tpu.memory_space<vmem>> -> memref<1x125xi32, #tpu.memory_space<vmem>>
      %dma_wait3A_292 = tpu.memref_squeeze %dma_wait3A_291 : memref<1x125xi32, #tpu.memory_space<vmem>> -> memref<125xi32, #tpu.memory_space<vmem>>
      %dma_wait3A_293 = arith.constant 0 : i32
      %dma_wait3A_294 = arith.constant 0 : i32
      %dma_wait3A_295 = tpu.memref_slice %arg3[%dma_wait3A_293, %dma_wait3A_294] : memref<256x32xf32, #tpu.memory_space<hbm>> -> memref<256x32xf32, #tpu.memory_space<hbm>>
      tpu.wait_indirect_dma semaphore(%arg11 : memref<!tpu.dma_semaphore, #tpu.memory_space<semaphore_mem>>) src(%dma_wait3A_295 : memref<256x32xf32, #tpu.memory_space<hbm>>) dst(%dma_wait3A_289 : memref<125x32xf32, #tpu.memory_space<vmem>>)
      %dma_wait3A_296 = arith.constant 6 : i32
      %dma_wait3A_297 = arith.constant 750 : i32
      %dma_wait3A_298 = arith.constant 0 : i32
      %dma_wait3A_299 = tpu.memref_slice %arg9[%dma_wait3A_297, %dma_wait3A_298] : memref<1000x32xf32, #tpu.memory_space<vmem>> -> memref<125x32xf32, #tpu.memory_space<vmem>>
      %dma_wait3A_300 = arith.constant 0 : i32
      %dma_wait3A_301 = tpu.memref_slice %arg7[%dma_wait3A_296, %dma_wait3A_300] : memref<8x125xi32, #tpu.memory_space<vmem>> -> memref<1x125xi32, #tpu.memory_space<vmem>>
      %dma_wait3A_302 = tpu.memref_squeeze %dma_wait3A_301 : memref<1x125xi32, #tpu.memory_space<vmem>> -> memref<125xi32, #tpu.memory_space<vmem>>
      %dma_wait3A_303 = arith.constant 0 : i32
      %dma_wait3A_304 = arith.constant 0 : i32
      %dma_wait3A_305 = tpu.memref_slice %arg2[%dma_wait3A_303, %dma_wait3A_304] : memref<65536x32xf32, #tpu.memory_space<hbm>> -> memref<65536x32xf32, #tpu.memory_space<hbm>>
      tpu.wait_indirect_dma semaphore(%arg11 : memref<!tpu.dma_semaphore, #tpu.memory_space<semaphore_mem>>) src(%dma_wait3A_305 : memref<65536x32xf32, #tpu.memory_space<hbm>>) dst(%dma_wait3A_299 : memref<125x32xf32, #tpu.memory_space<vmem>>)
      %dma_wait3A_306 = arith.constant 6 : i32
      %dma_wait3A_307 = arith.constant 750 : i32
      %dma_wait3A_308 = arith.constant 0 : i32
      %dma_wait3A_309 = tpu.memref_slice %arg10[%dma_wait3A_307, %dma_wait3A_308] : memref<1000x32xf32, #tpu.memory_space<vmem>> -> memref<125x32xf32, #tpu.memory_space<vmem>>
      %dma_wait3A_310 = arith.constant 0 : i32
      %dma_wait3A_311 = tpu.memref_slice %arg8[%dma_wait3A_306, %dma_wait3A_310] : memref<8x125xi32, #tpu.memory_space<vmem>> -> memref<1x125xi32, #tpu.memory_space<vmem>>
      %dma_wait3A_312 = tpu.memref_squeeze %dma_wait3A_311 : memref<1x125xi32, #tpu.memory_space<vmem>> -> memref<125xi32, #tpu.memory_space<vmem>>
      %dma_wait3A_313 = arith.constant 0 : i32
      %dma_wait3A_314 = arith.constant 0 : i32
      %dma_wait3A_315 = tpu.memref_slice %arg3[%dma_wait3A_313, %dma_wait3A_314] : memref<256x32xf32, #tpu.memory_space<hbm>> -> memref<256x32xf32, #tpu.memory_space<hbm>>
      tpu.wait_indirect_dma semaphore(%arg11 : memref<!tpu.dma_semaphore, #tpu.memory_space<semaphore_mem>>) src(%dma_wait3A_315 : memref<256x32xf32, #tpu.memory_space<hbm>>) dst(%dma_wait3A_309 : memref<125x32xf32, #tpu.memory_space<vmem>>)
      %dma_wait3A_316 = arith.constant 7 : i32
      %dma_wait3A_317 = arith.constant 875 : i32
      %dma_wait3A_318 = arith.constant 0 : i32
      %dma_wait3A_319 = tpu.memref_slice %arg9[%dma_wait3A_317, %dma_wait3A_318] : memref<1000x32xf32, #tpu.memory_space<vmem>> -> memref<125x32xf32, #tpu.memory_space<vmem>>
      %dma_wait3A_320 = arith.constant 0 : i32
      %dma_wait3A_321 = tpu.memref_slice %arg7[%dma_wait3A_316, %dma_wait3A_320] : memref<8x125xi32, #tpu.memory_space<vmem>> -> memref<1x125xi32, #tpu.memory_space<vmem>>
      %dma_wait3A_322 = tpu.memref_squeeze %dma_wait3A_321 : memref<1x125xi32, #tpu.memory_space<vmem>> -> memref<125xi32, #tpu.memory_space<vmem>>
      %dma_wait3A_323 = arith.constant 0 : i32
      %dma_wait3A_324 = arith.constant 0 : i32
      %dma_wait3A_325 = tpu.memref_slice %arg2[%dma_wait3A_323, %dma_wait3A_324] : memref<65536x32xf32, #tpu.memory_space<hbm>> -> memref<65536x32xf32, #tpu.memory_space<hbm>>
      tpu.wait_indirect_dma semaphore(%arg11 : memref<!tpu.dma_semaphore, #tpu.memory_space<semaphore_mem>>) src(%dma_wait3A_325 : memref<65536x32xf32, #tpu.memory_space<hbm>>) dst(%dma_wait3A_319 : memref<125x32xf32, #tpu.memory_space<vmem>>)
      %dma_wait3A_326 = arith.constant 7 : i32
      %dma_wait3A_327 = arith.constant 875 : i32
      %dma_wait3A_328 = arith.constant 0 : i32
      %dma_wait3A_329 = tpu.memref_slice %arg10[%dma_wait3A_327, %dma_wait3A_328] : memref<1000x32xf32, #tpu.memory_space<vmem>> -> memref<125x32xf32, #tpu.memory_space<vmem>>
      %dma_wait3A_330 = arith.constant 0 : i32
      %dma_wait3A_331 = tpu.memref_slice %arg8[%dma_wait3A_326, %dma_wait3A_330] : memref<8x125xi32, #tpu.memory_space<vmem>> -> memref<1x125xi32, #tpu.memory_space<vmem>>
      %dma_wait3A_332 = tpu.memref_squeeze %dma_wait3A_331 : memref<1x125xi32, #tpu.memory_space<vmem>> -> memref<125xi32, #tpu.memory_space<vmem>>
      %dma_wait3A_333 = arith.constant 0 : i32
      %dma_wait3A_334 = arith.constant 0 : i32
      %dma_wait3A_335 = tpu.memref_slice %arg3[%dma_wait3A_333, %dma_wait3A_334] : memref<256x32xf32, #tpu.memory_space<hbm>> -> memref<256x32xf32, #tpu.memory_space<hbm>>
      tpu.wait_indirect_dma semaphore(%arg11 : memref<!tpu.dma_semaphore, #tpu.memory_space<semaphore_mem>>) src(%dma_wait3A_335 : memref<256x32xf32, #tpu.memory_space<hbm>>) dst(%dma_wait3A_329 : memref<125x32xf32, #tpu.memory_space<vmem>>)
      "tpu.region"() ({
        %run_scoped3A = tpu.sem_alloc : memref<!tpu.dma_semaphore, #tpu.memory_space<semaphore_mem>>
        %dma_start3A_336 = arith.constant 0 : i32
        %dma_start3A_337 = tpu.memref_slice %arg6[%multiple_of3A, %dma_start3A_336] : memref<800000x64xf32, #tpu.memory_space<hbm>> -> memref<1000x64xf32, #tpu.memory_space<hbm>>
        %dma_start3A_338 = arith.constant 0 : i32
        %dma_start3A_339 = arith.constant 0 : i32
        %dma_start3A_340 = tpu.memref_slice %dma_start3A_337[%dma_start3A_338, %dma_start3A_339] : memref<1000x64xf32, #tpu.memory_space<hbm>> -> memref<1000x32xf32, #tpu.memory_space<hbm>>
        %dma_start3A_341 = arith.constant 0 : i32
        %dma_start3A_342 = tpu.memref_slice %arg6[%multiple_of3A, %dma_start3A_341] : memref<800000x64xf32, #tpu.memory_space<hbm>> -> memref<1000x64xf32, #tpu.memory_space<hbm>>
        %dma_start3A_343 = arith.constant 0 : i32
        %dma_start3A_344 = arith.constant 0 : i32
        %dma_start3A_345 = tpu.memref_slice %dma_start3A_342[%dma_start3A_343, %dma_start3A_344] : memref<1000x64xf32, #tpu.memory_space<hbm>> -> memref<1000x32xf32, #tpu.memory_space<hbm>>
        tpu.enqueue_dma source(%arg9 : memref<1000x32xf32, #tpu.memory_space<vmem>>) target(%dma_start3A_345 : memref<1000x32xf32, #tpu.memory_space<hbm>>) target_semaphore(%run_scoped3A : memref<!tpu.dma_semaphore, #tpu.memory_space<semaphore_mem>>)
        %dma_wait3A_346 = arith.constant 0 : i32
        %dma_wait3A_347 = tpu.memref_slice %arg6[%multiple_of3A, %dma_wait3A_346] : memref<800000x64xf32, #tpu.memory_space<hbm>> -> memref<1000x64xf32, #tpu.memory_space<hbm>>
        %dma_wait3A_348 = arith.constant 0 : i32
        %dma_wait3A_349 = arith.constant 0 : i32
        %dma_wait3A_350 = tpu.memref_slice %dma_wait3A_347[%dma_wait3A_348, %dma_wait3A_349] : memref<1000x64xf32, #tpu.memory_space<hbm>> -> memref<1000x32xf32, #tpu.memory_space<hbm>>
        %dma_wait3A_351 = arith.constant 0 : i32
        %dma_wait3A_352 = tpu.memref_slice %arg6[%multiple_of3A, %dma_wait3A_351] : memref<800000x64xf32, #tpu.memory_space<hbm>> -> memref<1000x64xf32, #tpu.memory_space<hbm>>
        %dma_wait3A_353 = arith.constant 0 : i32
        %dma_wait3A_354 = arith.constant 0 : i32
        %dma_wait3A_355 = tpu.memref_slice %dma_wait3A_352[%dma_wait3A_353, %dma_wait3A_354] : memref<1000x64xf32, #tpu.memory_space<hbm>> -> memref<1000x32xf32, #tpu.memory_space<hbm>>
        tpu.wait_dma2 semaphore(%run_scoped3A : memref<!tpu.dma_semaphore, #tpu.memory_space<semaphore_mem>>) src(%arg9 : memref<1000x32xf32, #tpu.memory_space<vmem>>) dst(%dma_wait3A_355 : memref<1000x32xf32, #tpu.memory_space<hbm>>)
        tpu.yield
      }) : () -> ()
      "tpu.region"() ({
        %run_scoped3A = tpu.sem_alloc : memref<!tpu.dma_semaphore, #tpu.memory_space<semaphore_mem>>
        %dma_start3A_336 = arith.constant 0 : i32
        %dma_start3A_337 = tpu.memref_slice %arg6[%multiple_of3A, %dma_start3A_336] : memref<800000x64xf32, #tpu.memory_space<hbm>> -> memref<1000x64xf32, #tpu.memory_space<hbm>>
        %dma_start3A_338 = arith.constant 0 : i32
        %dma_start3A_339 = arith.constant 32 : i32
        %dma_start3A_340 = tpu.memref_slice %dma_start3A_337[%dma_start3A_338, %dma_start3A_339] : memref<1000x64xf32, #tpu.memory_space<hbm>> -> memref<1000x32xf32, #tpu.memory_space<hbm>>
        %dma_start3A_341 = arith.constant 0 : i32
        %dma_start3A_342 = tpu.memref_slice %arg6[%multiple_of3A, %dma_start3A_341] : memref<800000x64xf32, #tpu.memory_space<hbm>> -> memref<1000x64xf32, #tpu.memory_space<hbm>>
        %dma_start3A_343 = arith.constant 0 : i32
        %dma_start3A_344 = arith.constant 32 : i32
        %dma_start3A_345 = tpu.memref_slice %dma_start3A_342[%dma_start3A_343, %dma_start3A_344] : memref<1000x64xf32, #tpu.memory_space<hbm>> -> memref<1000x32xf32, #tpu.memory_space<hbm>>
        tpu.enqueue_dma source(%arg10 : memref<1000x32xf32, #tpu.memory_space<vmem>>) target(%dma_start3A_345 : memref<1000x32xf32, #tpu.memory_space<hbm>>) target_semaphore(%run_scoped3A : memref<!tpu.dma_semaphore, #tpu.memory_space<semaphore_mem>>)
        %dma_wait3A_346 = arith.constant 0 : i32
        %dma_wait3A_347 = tpu.memref_slice %arg6[%multiple_of3A, %dma_wait3A_346] : memref<800000x64xf32, #tpu.memory_space<hbm>> -> memref<1000x64xf32, #tpu.memory_space<hbm>>
        %dma_wait3A_348 = arith.constant 0 : i32
        %dma_wait3A_349 = arith.constant 32 : i32
        %dma_wait3A_350 = tpu.memref_slice %dma_wait3A_347[%dma_wait3A_348, %dma_wait3A_349] : memref<1000x64xf32, #tpu.memory_space<hbm>> -> memref<1000x32xf32, #tpu.memory_space<hbm>>
        %dma_wait3A_351 = arith.constant 0 : i32
        %dma_wait3A_352 = tpu.memref_slice %arg6[%multiple_of3A, %dma_wait3A_351] : memref<800000x64xf32, #tpu.memory_space<hbm>> -> memref<1000x64xf32, #tpu.memory_space<hbm>>
        %dma_wait3A_353 = arith.constant 0 : i32
        %dma_wait3A_354 = arith.constant 32 : i32
        %dma_wait3A_355 = tpu.memref_slice %dma_wait3A_352[%dma_wait3A_353, %dma_wait3A_354] : memref<1000x64xf32, #tpu.memory_space<hbm>> -> memref<1000x32xf32, #tpu.memory_space<hbm>>
        tpu.wait_dma2 semaphore(%run_scoped3A : memref<!tpu.dma_semaphore, #tpu.memory_space<semaphore_mem>>) src(%arg10 : memref<1000x32xf32, #tpu.memory_space<vmem>>) dst(%dma_wait3A_355 : memref<1000x32xf32, #tpu.memory_space<hbm>>)
        tpu.yield
      }) : () -> ()
    }
    %scan3A_7 = arith.constant 25 : i32
    return
  }
}

module attributes {stable_mosaic.version = 14 : i64} {
  func.func @_mm_body(%arg0: i32, %arg1: memref<2000x32xf32, #tpu.memory_space<vmem>>, %arg2: memref<64x32xf32, #tpu.memory_space<vmem>>, %arg3: memref<1x64xf32, #tpu.memory_space<vmem>>, %arg4: memref<2000x64xf32, #tpu.memory_space<vmem>>) attributes {dimension_semantics = [#tpu.dimension_semantics<arbitrary>], iteration_bounds = array<i64: 25>, scalar_prefetch = 0 : i64, scratch_operands = 0 : i64, tpu.core_type = #tpu.core_type<tc>, window_params = [{transform_indices = @transform_0, window_bounds = array<i64: 2000, 32>}, {pipeline_mode = #tpu.pipeline_mode<synchronous>, transform_indices = @transform_1, window_bounds = array<i64: 64, 32>}, {pipeline_mode = #tpu.pipeline_mode<synchronous>, transform_indices = @transform_2, window_bounds = array<i64: 1, 64>}, {transform_indices = @transform_3, window_bounds = array<i64: 2000, 64>}]} {
    %get3A = arith.constant 0 : index
    %get3A_0 = arith.constant 0 : index
    %get3A_1 = vector.load %arg1[%get3A, %get3A_0] : memref<2000x32xf32, #tpu.memory_space<vmem>>, vector<2000x32xf32>
    %get3A_2 = arith.constant 0 : index
    %get3A_3 = arith.constant 0 : index
    %get3A_4 = vector.load %arg2[%get3A_2, %get3A_3] : memref<64x32xf32, #tpu.memory_space<vmem>>, vector<64x32xf32>
    %dot_general3A = arith.constant dense<0.000000e+00> : vector<2000x64xf32>
    %dot_general3A_5 = tpu.matmul %get3A_1, %get3A_4, %dot_general3A {dimension_numbers = #tpu.dot_dimension_numbers<[1], [1], [0], [0], [0, 0, 1, 0], [], []>, transpose_lhs_hint = false} : vector<2000x32xf32>, vector<64x32xf32>, vector<2000x64xf32> -> vector<2000x64xf32>
    %get3A_6 = arith.constant 0 : index
    %get3A_7 = arith.constant 0 : index
    %get3A_8 = vector.load %arg3[%get3A_6, %get3A_7] : memref<1x64xf32, #tpu.memory_space<vmem>>, vector<1x64xf32>
    %add3A = vector.broadcast %get3A_8 : vector<1x64xf32> to vector<2000x64xf32>
    %add3A_9 = arith.addf %dot_general3A_5, %add3A : vector<2000x64xf32>
    %swap3A = arith.constant 0 : index
    %swap3A_10 = arith.constant 0 : index
    %swap3A_11 = vector.load %arg4[%swap3A, %swap3A_10] : memref<2000x64xf32, #tpu.memory_space<vmem>>, vector<2000x64xf32>
    tpu.vector_store %arg4[%swap3A, %swap3A_10], %add3A_9 {strides = array<i32>} : memref<2000x64xf32, #tpu.memory_space<vmem>>, vector<2000x64xf32>,
    return
  }
  func.func @transform_0(%arg0: i32) -> (i32, i32) {
    %c0_i32 = arith.constant 0 : i32
    %c0_i32_0 = arith.constant 0 : i32
    return %arg0, %c0_i32 : i32, i32
  }
  func.func @transform_1(%arg0: i32) -> (i32, i32) {
    %c0_i32 = arith.constant 0 : i32
    %c0_i32_0 = arith.constant 0 : i32
    %c0_i32_1 = arith.constant 0 : i32
    return %c0_i32, %c0_i32_0 : i32, i32
  }
  func.func @transform_2(%arg0: i32) -> (i32, i32) {
    %c0_i32 = arith.constant 0 : i32
    %c0_i32_0 = arith.constant 0 : i32
    %c0_i32_1 = arith.constant 0 : i32
    return %c0_i32, %c0_i32_0 : i32, i32
  }
  func.func @transform_3(%arg0: i32) -> (i32, i32) {
    %c0_i32 = arith.constant 0 : i32
    %c0_i32_0 = arith.constant 0 : i32
    return %arg0, %c0_i32 : i32, i32
  }
}

</mosaic_0001>

<sc_bundles>
// kernel: kernel.4.cloned.1.call-start
scs
__scs_entry_jumppad:
0x0: {  	(pc) =	sbr.rel $0x88, $3  }
0x1: {  	(tag) =	ssettag $0x0;
	lr =	simm.s32 $0x1  }
0x2: {  	[smem:$0x3F9A] =	sst lr;
	_ =	strace $0xD0000000  }
0x3: {  	_ = 	snop  }
0x4: {  	_ = 	snop  }
0x5: {  	_ = 	snop  }
0x6: {  	_ = 	snop  }
0x7: {  	_ = 	snop  }
__scs_overlays_trampoline_lowered:
0x8: {  	[smem:$0x3FA9] =	sst s0  }
0x9: {  	[smem:$0x3FAA] =	sst s1  }
0xa: {  	[smem:$0x3FAB] =	sst s2  }
0xb: {  	[smem:$0x3FAC] =	sst s3  }
0xc: {  	[smem:$0x3FAD] =	sst s4  }
0xd: {  	[smem:$0x3FAE] =	sst s5  }
0xe: {  	[smem:$0x3FAF] =	sst s6  }
0xf: {  	[smem:$0x3FB0] =	sst s7  }
0x10: {  	[smem:$0x3FB1] =	sst s8  }
0x11: {  	[smem:$0x3FB2] =	sst s9;
	s0 =	simm.s32 @!p0 $0x0  }
0x12: {  	s1 =	sld [smem:$0x3F98];
	s0 =	simm.s32 @p0 $0x1  }
0x13: {  	[smem:$0x3FB3] =	sst s0;
	s0 =	simm.s32 @!p1 $0x0  }
0x14: {  	s2 =	sld [smem:$0x3F97];
	s0 =	simm.s32 @p1 $0x1  }
0x15: {  	[smem:$0x3FB4] =	sst s0;
	s0 =	simm.s32 @!p2 $0x0  }
0x16: {  	s3 =	sld [smem:$0x3FDB];
	s0 =	simm.s32 @p2 $0x1  }
0x17: {  	s4 =	simm.s32 $0x1BF5;
	[smem:$0x3FB6] =	sst s0  }
0x18: {  	s0 =	sld [smem:$0x3F99];
	_ =	swait.ge [sflag:s4], $0x0  }
0x19: {  	s7 =	sld [smem:$0x3F9A]  }
0x1a: {  	s8 =	sadd.s32 $0xFFFFE003, lr  }
0x1b: {  	s9 =	sadd.s32 $0xFFFFFEF7, lr;
	s5 =	simm.s32 $0xFFFFFFFF;
	p2 =	slt.u32 s8, $0xFFFFF086  }
0x1c: {  	p1 =	slt.u32 s9, $0xF7A;
	s5 =	simm.s32 @!p2 $0x0  }
0x1d: {  	s5 =	simm.s32 @p1 $0x1;
	p0 =	seq.s32 s7, s2  }
0x1e: {  	s7 =	smul.u32 @!p0 $0xF7A, s2;
	p2 =	seq.s32 @!p0 s5, $0x0  }
0x1f: {  	s9 =	smul.u32 $0xF7A, s1;
	s8 =	simm.s32 @!p0 $0x1BF5;
	p2 =	por !p2, p0  }
0x20: {  	[sflag:s8] =	ssyncset.s32 @!p0 $0xFFFFF086;
	s6 =	sadd.s32 @!p0 s3, s7;
	s7 =	simm.s32 @!p0 $0x108  }
0x21: {  	s3 =	sadd.s32 s3, s9;
	s6 =	sadd.s32 @!p0 $0x88, s6;
	s7 =	simm.s32 @p2 $0x1082  }
0x22: {  	[simem:s7], [sflag:s8] =	dma.local @!p0 [hbm:s6], $0xF7A  }
0x23: {  	s9 =	sor.u32 $0xD0000000, s2;
	s6 =	simm.s32 $0x108;
	_ =	swait.ge @!p0 [sflag:s8], $0x0  }
0x24: {  	s3 =	sadd.s32 $0x88, s3;
	s6 =	simm.s32 @!p1 $0x1082;
	[sflag:s4] =	ssyncset.s32 $0xFFFFF086  }
0x25: {  	[simem:s6], [sflag:s4] =	dma.local [hbm:s3], $0xF7A  }
0x26: {  	[smem:$0x3F9A] =	sst s1;
	(tag) =	ssettag s2;
	_ =	strace s9  }
0x27: {  	s1 =	sld [smem:$0x3FAA]  }
0x28: {  	s2 =	sld [smem:$0x3FAB]  }
0x29: {  	s4 =	sld [smem:$0x3FAD]  }
0x2a: {  	p0 =	seq.s32 s5, $0x0;
	s5 =	sld [smem:$0x3FAE]  }
0x2b: {  	s6 =	sld [smem:$0x3FAF]  }
0x2c: {  	s7 =	sld [smem:$0x3FB0]  }
0x2d: {  	s3 =	simm.s32 $0x108;
	s8 =	sld [smem:$0x3FB1]  }
0x2e: {  	s3 =	simm.s32 @!p0 $0x1082;
	s9 =	sld [smem:$0x3FB2]  }
0x2f: {  	lr =	sadd.s32 s0, s3;
	s0 =	sld [smem:$0x3FA9]  }
0x30: {  	s3 =	sld [smem:$0x3FAC]  }
0x31: {  	[smem:$0x3FB5] =	sst s10  }
0x32: {  	s10 =	sld [smem:$0x3FB3];
	_ =	sdelay $0x3  }
0x33: {  	p0 =	seq.s32 s10, $0x1;
	s10 =	sld [smem:$0x3FB5];
	_ =	sdelay $0x3  }
0x34: {  	[smem:$0x3FB5] =	sst s10  }
0x35: {  	s10 =	sld [smem:$0x3FB4];
	_ =	sdelay $0x3  }
0x36: {  	p1 =	seq.s32 s10, $0x1;
	s10 =	sld [smem:$0x3FB5];
	_ =	sdelay $0x3  }
0x37: {  	[smem:$0x3FB5] =	sst s10  }
0x38: {  	s10 =	sld [smem:$0x3FB6]  }
0x39: {  	_ = 	snop;
	(pc) =	sbr.ind lr, $3  }
0x3a: {  	_ = 	snop  }
0x3b: {  	_ = 	snop  }
0x3c: {  	p2 =	seq.s32 s10, $0x1;
	s10 =	sld [smem:$0x3FB5]  }
0x3d: {  	_ =	shalt  }
0x3e: {  	_ =	shalt  }
0x3f: {  	_ =	shalt  }
0x40: {  	_ =	shalt  }
0x41: {  	_ =	shalt  }
0x42: {  	_ =	shalt  }
0x43: {  	_ =	shalt  }
0x44: {  	_ =	shalt  }
0x45: {  	_ =	shalt  }
0x46: {  	_ =	shalt  }
0x47: {  	_ =	shalt  }
0x48: {  	_ =	shalt  }
0x49: {  	_ =	shalt  }
0x4a: {  	_ =	shalt  }
0x4b: {  	_ =	shalt  }
0x4c: {  	_ =	shalt  }
0x4d: {  	_ =	shalt  }
0x4e: {  	_ =	shalt  }
0x4f: {  	_ =	shalt  }
0x50: {  	_ =	shalt  }
0x51: {  	_ =	shalt  }
0x52: {  	_ =	shalt  }
0x53: {  	_ =	shalt  }
0x54: {  	_ =	shalt  }
0x55: {  	_ =	shalt  }
0x56: {  	_ =	shalt  }
0x57: {  	_ =	shalt  }
0x58: {  	_ =	shalt  }
0x59: {  	_ =	shalt  }
0x5a: {  	_ =	shalt  }
0x5b: {  	_ =	shalt  }
0x5c: {  	_ =	shalt  }
0x5d: {  	_ =	shalt  }
0x5e: {  	_ =	shalt  }
0x5f: {  	_ =	shalt  }
0x60: {  	_ =	shalt  }
0x61: {  	_ =	shalt  }
0x62: {  	_ =	shalt  }
0x63: {  	_ =	shalt  }
0x64: {  	_ =	shalt  }
0x65: {  	_ =	shalt  }
0x66: {  	_ =	shalt  }
0x67: {  	_ =	shalt  }
0x68: {  	_ =	shalt  }
0x69: {  	_ =	shalt  }
0x6a: {  	_ =	shalt  }
0x6b: {  	_ =	shalt  }
0x6c: {  	_ =	shalt  }
0x6d: {  	_ =	shalt  }
0x6e: {  	_ =	shalt  }
0x6f: {  	_ =	shalt  }
0x70: {  	_ =	shalt  }
0x71: {  	_ =	shalt  }
0x72: {  	_ =	shalt  }
0x73: {  	_ =	shalt  }
0x74: {  	_ =	shalt  }
0x75: {  	_ =	shalt  }
0x76: {  	_ =	shalt  }
0x77: {  	_ =	shalt  }
0x78: {  	_ =	shalt  }
0x79: {  	_ =	shalt  }
0x7a: {  	_ =	shalt  }
0x7b: {  	_ =	shalt  }
0x7c: {  	_ =	shalt  }
0x7d: {  	_ =	shalt  }
0x7e: {  	_ =	shalt  }
0x7f: {  	_ =	shalt  }
0x80: {  	_ =	shalt  }
0x81: {  	_ =	shalt  }
0x82: {  	_ =	shalt  }
0x83: {  	_ =	shalt  }
0x84: {  	_ =	shalt  }
0x85: {  	_ =	shalt  }
0x86: {  	_ =	shalt  }
0x87: {  	_ =	shalt  }
.Lfunc_end0:
.L_simem_size_0:
called_computation.1_lowered:
.L_overlay_start_0:
0x88: {  	s2 =	sld [smem:$0x3FD9]  }
0x89: {  	s3 =	sld [smem:$0x3FFE];
	_ =	sdelay $0x1  }
0x8a: {  	s1 =	srdreg.scid  }
0x8b: {  	s0 =	sand.u32 $0x1, s1  }
0x8c: {  	s14 =	sshll.u32 s0, $0xA;
	s2 =	sadd.s32 s3, s2  }
0x8d: {  	s2 =	sadd.s32 s2, s14  }
0x8e: {  	[smem:$0x3FC1] =	sst s2  }
0x8f: {  	_ = 	snop  }
0x90: {  	s2 =	sld [smem:$0x3FD0];
	_ =	sdelay $0x2  }
0x91: {  	s15 =	simm.s32 $0xA;
	s4 =	simm.s32 $0x10  }
0x92: {  	[smem:s4], [sflag:s15] =	dma.local [hbm:s2], $0x1  }
0x93: {  	_ =	swait.eq [sflag:s15], $0x1  }
0x94: {  	[sflag:s15] =	ssyncset.done $0x0  }
0x95: {  	s16 =	sld [smem:$0x10];
	[sflag:s15] =	ssyncadd.s32 $0xFFFFFFFF  }
0x96: {  	s17 =	sld [smem:$0x11];
	(tm) =	ssettm $0x1  }
0x97: {  	s18 =	sld [smem:$0x3FFB];
	_ =	sdelay $0x3  }
0x98: {  	_ =	strace s18  }
0x99: {  	s4 =	sld [smem:$0x3FFC];
	_ =	sdelay $0x3  }
0x9a: {  	_ =	strace s4  }
0x9b: {  	s4 =	sld [smem:$0x3FFD];
	_ =	sdelay $0x3  }
0x9c: {  	_ =	strace s4  }
0x9d: {  	_ =	strace $0x8FFFFFFF  }
0x9e: {  	s19 =	sld [smem:$0x3FDB];
	_ =	sdelay $0x1  }
0x9f: {  	s5 =	simm.s32 $_scs_section_size  }
0xa0: {  	s6 =	simm.s32 $_size__tile_overlayer_lowered;
	s7 =	simm.s32 $_tile_overlayer_lowered  }
0xa1: {  	s22 =	simm.s32 $0x1BFF;
	s21 =	sshll.u32 s7, $0x1;
	s4 =	sadd.s32 s5, s19  }
0xa2: {  	s8 =	simm.s32 $0x0;
	s20 =	sshll.u32 s6, $0x1;
	s6 =	sadd.s32 s21, s4  }
0xa3: {  	[timem:s8], [sflag:s22] =	dma.local [hbm:s6], s20  }
0xa4: {  	_ =	swait.ge [sflag:s22], s20  }
0xa5: {  	s5 =	ssub.s32 $0x0, s20;
	[sflag:s22] =	ssyncset.done $0x0  }
0xa6: {  	[sflag:s22] =	ssyncadd.s32 s5;
	_ =	sdelay $0x1  }
0xa7: {  	s23 =	simm.s32 $0x1B8B  }
0xa8: {  	_ =	swait.ge [sflag:s23], $0x1  }
0xa9: {  	[sflag:s23] =	ssyncset.done $0x0  }
0xaa: {  	s25 =	simm.s32 $0x1B8E;
	s24 =	sld [smem:$0x3FFE];
	[sflag:s23] =	ssyncadd.s32 $0xFFFFFFFF  }
0xab: {  	s26 =	simm.s32 $execute0_lowered;
	[smem:$0x3FD2] =	sst s25  }
0xac: {  	s6 =	sshll.u32 s26, $0x1;
	_ =	strace $0x80000046;
	[dreg:$0x1] =	wrdreg $0xFFFFFFFF  }
0xad: {  	s28 =	simm.s32 $_size_execute0_lowered;
	s4 =	sadd.s32 s4, s6;
	[dreg:$0x0] =	wrdreg $0x0  }
0xae: {  	s6 =	sshll.u32 s28, $0x1;
	[dreg:$0x2] =	wrdreg s4  }
0xaf: {  	[dreg:$0x3] =	wrdreg s6  }
0xb0: {  	[dreg:$0x4] =	wrdreg $0xC0  }
0xb1: {  	_ =	task [dreg:s8], $0x5FFFF  }
0xb2: {  	[dreg:$0x1] =	wrdreg $0xFFFFFFFF  }
0xb3: {  	[dreg:$0x0] =	wrdreg $0x60  }
0xb4: {  	[dreg:$0x2] =	wrdreg s16  }
0xb5: {  	[dreg:$0x3] =	wrdreg s24  }
0xb6: {  	[dreg:$0x4] =	wrdreg s17  }
0xb7: {  	[dreg:$0x5] =	wrdreg $0x9  }
0xb8: {  	_ =	task.clear_ibuf [dreg:s8], $0x6FFFF;
	_ =	strace $0x90000046  }
0xb9: {  	s29 =	simm.s32 $0x9;
	_ =	strace $0x80000048  }
0xba: {  	_ =	swait.ge [sflag:s29], $0x1  }
0xbb: {  	[sflag:s29] =	ssyncadd.s32 $0xFFFFFFFF  }
0xbc: {  	_ =	strace $0x90000048  }
0xbd: {  	_ =	sfence  }
0xbe: {  	s30 =	sld [smem:$0x0];
	_ =	sdelay $0x2  }
0xbf: {  	s31 =	sshll.u32 s1, $0xD;
	s1 =	sshrl.u32 s1, $0x2  }
0xc0: {  	s3 =	sand.u32 $0x4000, s31;
	s1 =	sadd.s32 s1, s30  }
0xc1: {  	s0 =	sor.u32 s3, s0;
	s1 =	sshll.u32 s1, $0x11  }
0xc2: {  	s0 =	sor.u32 s1, s0  }
0xc3: {  	s0 =	sadd.s32 $0x8F2B, s0  }
0xc4: {  	[sflag:s0] =	ssyncadd.remote.s32 $0x1  }
0xc5: {  	_ =	sfence.sel $0xFFFF  }
0xc6: {  	[dreg:$0x0] =	wrdreg $0xFFFFFFFF;
	(pc) =	sbr.abs _section_cstart, $3  }
0xc7: {  	[dreg:$0x1] =	wrdreg $0xFFFFFFFF  }
0xc8: {  	_ =	task.clear_ibuf [dreg:s8], $0x2FFFF;
	_ =	strace $0x9FFFFFFF  }
0xc9: {  	(tm) =	ssettm $0x7FFFFFFF  }
tec
execute0_lowered:
.L_overlay_start_1:
0x0: {  	(tag) =	ssettag $0x1  }
0x1: {  	s1 =	srdreg.scid;
	s0 =	stileid.u32  }
0x2: {  	s1 =	sand.u32 $0x1, s1;
	s3 =	smul.u32 $0xC800, s0  }
0x3: {  	s2 =	rddreg [dreg:$0x0];
	s4 =	smul.u32 $0x6400, s1  }
0x4: {  	s5 =	rddreg [dreg:$0x1]  }
0x5: {  	s6 =	rddreg [dreg:$0x2];
	s4 =	sadd.s32 s4, s3;
	s3 =	simm.s32 $0x0  }
0x6: {  	s11 =	simm.s32 $0x80;
	[smem:$0x7FF] =	sst s3  }
0x7: {  	s12 =	simm.s32 $0x17A0;
	_ =	strace $0x80000047;
	[dreg:$0x6] =	wrdreg s11  }
0x8: {  	s14 =	simm.s32 $0x480;
	s15 =	simm.s32 $0x94A0;
	[dreg:$0x7] =	wrdreg s12  }
0x9: {  	s16 =	simm.s32 $0x100;
	s18 =	simm.s32 $0x2740;
	[dreg:$0x8] =	wrdreg s14  }
0xa: {  	s20 =	simm.s32 $0x500;
	s21 =	simm.s32 $0xA440;
	[dreg:$0x9] =	wrdreg s15  }
0xb: {  	s22 =	simm.s32 $0x180;
	s19 =	smul.u32 $0x61A80, s0;
	[dreg:$0xa] =	wrdreg s16  }
0xc: {  	s13 =	ssub.s32 $0x2, s1;
	s1 =	smul.u32 $0x30D40, s1;
	[dreg:$0xb] =	wrdreg s18  }
0xd: {  	s24 =	simm.s32 $0x36E0;
	s6 =	sadd.s32 s19, s6;
	[dreg:$0xc] =	wrdreg s20  }
0xe: {  	s25 =	simm.s32 $0x580;
	s23 =	sadd.s32 s1, s6;
	[dreg:$0xd] =	wrdreg s21  }
0xf: {  	s26 =	simm.s32 $0xB3E0;
	s9 =	simm.s32 $0x7D;
	[dreg:$0x16] =	wrdreg s23  }
0x10: {  	s29 =	simm.s32 $0x200;
	s10 =	simm.s32 $0x800;
	[dreg:$0xe] =	wrdreg s22  }
0x11: {  	s30 =	simm.s32 $0x4680;
	s31 =	simm.s32 $0x600;
	[dreg:$0xf] =	wrdreg s24  }
0x12: {  	s28 =	simm.s32 $0x40;
	s8 =	sshrl.u32 s13, $0x1;
	[dreg:$0x10] =	wrdreg s25  }
0x13: {  	s19 =	simm.s32 $0x700;
	s1 =	simm.s32 $0xC380;
	[dreg:$0x11] =	wrdreg s26  }
0x14: {  	s6 =	simm.s32 $0x0;
	s4 =	sshrl.u32 s4, $0x3;
	[dreg:$0x12] =	wrdreg s29  }
0x15: {  	s4 =	sadd.s32 s4, s5;
	s11 =	simm.s32 $0x8500;
	[dreg:$0x13] =	wrdreg s30  }
0x16: {  	[dreg:$0x14] =	wrdreg s31;
	s12 =	simm.s32 $0x5620;
	s14 =	simm.s32 $0xD320  }
0x17: {  	s18 =	simm.s32 $0x65C0;
	s20 =	simm.s32 $0xE2C0;
	s21 =	simm.s32 $0x380  }
0x18: {  	s22 =	simm.s32 $0x7560;
	s23 =	simm.s32 $0x780;
	s7 =	sadd.s32 $0x1400, s4  }
0x19: {  	s24 =	simm.s32 $0xF260;
	s4 =	sadd.s32 $0x1A400, s4;
	[dreg:$0x4] =	wrdreg s7  }
0x1a: {  	s25 =	simm.s32 $0x1;
	s26 =	simm.s32 $0x20;
	[dreg:$0x5] =	wrdreg s4  }
0x1b: {  	s4 =	sadd.s32 $0x33400, s5;
	s7 =	ssub.s32 s13, s8;
	s8 =	simm.s32 $0x400  }
0x1c: {  	s5 =	simm.s32 $0x280;
	s13 =	simm.s32 $0x680;
	s17 =	smax.u32 s7, $0x1  }
0x1d: {  	s7 =	simm.s32 $0x2;
	[dreg:$0x15] =	wrdreg s17;
	s17 =	simm.s32 $0x300  }
.LBB2_1:
0x1e: {  	s15 =	rddreg [dreg:$0x5]  }
0x1f: {  	[dreg:$0x17] =	wrdreg s6;
	s6 =	sadd.s32 $0x0, s15  }
0x20: {  	[tilespmem:s3], [sflag:$0x2] =	stream.linear.gather [hbm4b:s6+s3], $0x400, $0x38;
	[tilespmem:$0x10200] =	vst v63  }
0x21: {  	_ =	swait.ge [sflag:s7], $0x400  }
0x22: {  	s16 =	rddreg [dreg:$0x4];
	[sflag:s7] =	ssyncset.done $0x0  }
0x23: {  	[sflag:s7] =	ssyncadd.s32 $0xFFFFFC00;
	s6 =	sadd.s32 $0x0, s16  }
0x24: {  	[tilespmem:s8], [sflag:$0x2] =	stream.linear.gather [hbm4b:s6+s3], $0x400, $0x38;
	[tilespmem:$0x10200] =	vst v63  }
0x25: {  	_ =	swait.ge [sflag:s7], $0x400  }
0x26: {  	s29 =	rddreg [dreg:$0x6]  }
0x27: {  	s30 =	rddreg [dreg:$0x7]  }
0x28: {  	[sflag:s7] =	ssyncset.done $0x0;
	s31 =	rddreg [dreg:$0x9]  }
0x29: {  	s0 =	rddreg [dreg:$0x8];
	[sflag:s7] =	ssyncadd.s32 $0xFFFFFC00  }
0x2a: {  	[tilespmem:s10], [sflag:$0x1] =	stream.indirect.gather [hbm4b:s2+s9], $0x20, s3, s9, $0xb8;
	[tilespmem:$0x10200] =	vst v63  }
0x2b: {  	s15 =	rddreg [dreg:$0xb]  }
0x2c: {  	[tilespmem:s11], [sflag:$0x1] =	stream.indirect.gather [hbm4b:s4+s9], $0x20, s8, s9, $0xb8;
	[tilespmem:$0x10200] =	vst v63  }
0x2d: {  	s16 =	rddreg [dreg:$0xd]  }
0x2e: {  	[tilespmem:s30], [sflag:$0x1] =	stream.indirect.gather [hbm4b:s2+s9], $0x20, s29, s9, $0xb8;
	[tilespmem:$0x10200] =	vst v63  }
0x2f: {  	s30 =	rddreg [dreg:$0xa]  }
0x30: {  	s29 =	rddreg [dreg:$0xf]  }
0x31: {  	[tilespmem:s31], [sflag:$0x1] =	stream.indirect.gather [hbm4b:s4+s9], $0x20, s0, s9, $0xb8;
	[tilespmem:$0x10200] =	vst v63  }
0x32: {  	s31 =	rddreg [dreg:$0xc]  }
0x33: {  	[tilespmem:s15], [sflag:$0x1] =	stream.indirect.gather [hbm4b:s2+s9], $0x20, s30, s9, $0xb8;
	[tilespmem:$0x10200] =	vst v63  }
0x34: {  	s30 =	rddreg [dreg:$0xe]  }
0x35: {  	s15 =	rddreg [dreg:$0x11]  }
0x36: {  	[tilespmem:s16], [sflag:$0x1] =	stream.indirect.gather [hbm4b:s4+s9], $0x20, s31, s9, $0xb8;
	[tilespmem:$0x10200] =	vst v63  }
0x37: {  	s31 =	rddreg [dreg:$0x10]  }
0x38: {  	[tilespmem:s29], [sflag:$0x1] =	stream.indirect.gather [hbm4b:s2+s9], $0x20, s30, s9, $0xb8;
	[tilespmem:$0x10200] =	vst v63  }
0x39: {  	s16 =	rddreg [dreg:$0x13]  }
0x3a: {  	[tilespmem:s15], [sflag:$0x1] =	stream.indirect.gather [hbm4b:s4+s9], $0x20, s31, s9, $0xb8;
	[tilespmem:$0x10200] =	vst v63  }
0x3b: {  	s30 =	rddreg [dreg:$0x12]  }
0x3c: {  	[tilespmem:s16], [sflag:$0x1] =	stream.indirect.gather [hbm4b:s2+s9], $0x20, s30, s9, $0xb8;
	[tilespmem:$0x10200] =	vst v63  }
0x3d: {  	s29 =	rddreg [dreg:$0x14]  }
0x3e: {  	[tilespmem:s1], [sflag:$0x1] =	stream.indirect.gather [hbm4b:s4+s9], $0x20, s29, s9, $0xb8;
	[tilespmem:$0x10200] =	vst v63  }
0x3f: {  	_ = 	snop  }
0x40: {  	[tilespmem:s12], [sflag:$0x1] =	stream.indirect.gather [hbm4b:s2+s9], $0x20, s5, s9, $0xb8;
	[tilespmem:$0x10200] =	vst v63  }
0x41: {  	_ = 	snop  }
0x42: {  	[tilespmem:s14], [sflag:$0x1] =	stream.indirect.gather [hbm4b:s4+s9], $0x20, s13, s9, $0xb8;
	[tilespmem:$0x10200] =	vst v63  }
0x43: {  	_ = 	snop  }
0x44: {  	[tilespmem:s18], [sflag:$0x1] =	stream.indirect.gather [hbm4b:s2+s9], $0x20, s17, s9, $0xb8;
	[tilespmem:$0x10200] =	vst v63  }
0x45: {  	_ = 	snop  }
0x46: {  	[tilespmem:s20], [sflag:$0x1] =	stream.indirect.gather [hbm4b:s4+s9], $0x20, s19, s9, $0xb8;
	[tilespmem:$0x10200] =	vst v63  }
0x47: {  	_ = 	snop  }
0x48: {  	[tilespmem:s22], [sflag:$0x1] =	stream.indirect.gather [hbm4b:s2+s9], $0x20, s21, s9, $0xb8;
	[tilespmem:$0x10200] =	vst v63  }
0x49: {  	_ = 	snop  }
0x4a: {  	[tilespmem:s24], [sflag:$0x1] =	stream.indirect.gather [hbm4b:s4+s9], $0x20, s23, s9, $0xb8;
	[tilespmem:$0x10200] =	vst v63  }
0x4b: {  	_ =	swait.ge [sflag:s25], $0xFA0  }
0x4c: {  	[sflag:s25] =	ssyncset.done $0x0  }
0x4d: {  	[sflag:s25] =	ssyncadd.s32 $0xFFFFF060  }
0x4e: {  	_ =	swait.ge [sflag:s25], $0xFA0  }
0x4f: {  	[sflag:s25] =	ssyncset.done $0x0  }
0x50: {  	[sflag:s25] =	ssyncadd.s32 $0xFFFFF060  }
0x51: {  	_ =	swait.ge [sflag:s25], $0xFA0  }
0x52: {  	[sflag:s25] =	ssyncset.done $0x0  }
0x53: {  	[sflag:s25] =	ssyncadd.s32 $0xFFFFF060  }
0x54: {  	_ =	swait.ge [sflag:s25], $0xFA0  }
0x55: {  	[sflag:s25] =	ssyncset.done $0x0  }
0x56: {  	[sflag:s25] =	ssyncadd.s32 $0xFFFFF060  }
0x57: {  	_ =	swait.ge [sflag:s25], $0xFA0  }
0x58: {  	[sflag:s25] =	ssyncset.done $0x0  }
0x59: {  	[sflag:s25] =	ssyncadd.s32 $0xFFFFF060  }
0x5a: {  	_ =	swait.ge [sflag:s25], $0xFA0  }
0x5b: {  	[sflag:s25] =	ssyncset.done $0x0  }
0x5c: {  	[sflag:s25] =	ssyncadd.s32 $0xFFFFF060  }
0x5d: {  	_ =	swait.ge [sflag:s25], $0xFA0  }
0x5e: {  	[sflag:s25] =	ssyncset.done $0x0  }
0x5f: {  	[sflag:s25] =	ssyncadd.s32 $0xFFFFF060  }
0x60: {  	_ =	swait.ge [sflag:s25], $0xFA0  }
0x61: {  	[sflag:s25] =	ssyncset.done $0x0  }
0x62: {  	[sflag:s25] =	ssyncadd.s32 $0xFFFFF060  }
0x63: {  	_ =	swait.ge [sflag:s25], $0xFA0  }
0x64: {  	[sflag:s25] =	ssyncset.done $0x0  }
0x65: {  	[sflag:s25] =	ssyncadd.s32 $0xFFFFF060  }
0x66: {  	_ =	swait.ge [sflag:s25], $0xFA0  }
0x67: {  	[sflag:s25] =	ssyncset.done $0x0  }
0x68: {  	[sflag:s25] =	ssyncadd.s32 $0xFFFFF060  }
0x69: {  	_ =	swait.ge [sflag:s25], $0xFA0  }
0x6a: {  	[sflag:s25] =	ssyncset.done $0x0  }
0x6b: {  	[sflag:s25] =	ssyncadd.s32 $0xFFFFF060  }
0x6c: {  	_ =	swait.ge [sflag:s25], $0xFA0  }
0x6d: {  	[sflag:s25] =	ssyncset.done $0x0  }
0x6e: {  	[sflag:s25] =	ssyncadd.s32 $0xFFFFF060  }
0x6f: {  	_ =	swait.ge [sflag:s25], $0xFA0  }
0x70: {  	[sflag:s25] =	ssyncset.done $0x0  }
0x71: {  	[sflag:s25] =	ssyncadd.s32 $0xFFFFF060  }
0x72: {  	_ =	swait.ge [sflag:s25], $0xFA0  }
0x73: {  	[sflag:s25] =	ssyncset.done $0x0  }
0x74: {  	[sflag:s25] =	ssyncadd.s32 $0xFFFFF060  }
0x75: {  	_ =	swait.ge [sflag:s25], $0xFA0  }
0x76: {  	[sflag:s25] =	ssyncset.done $0x0  }
0x77: {  	[sflag:s25] =	ssyncadd.s32 $0xFFFFF060  }
0x78: {  	_ =	swait.ge [sflag:s25], $0xFA0  }
0x79: {  	[sflag:s25] =	ssyncset.done $0x0;
	s6 =	rddreg [dreg:$0x16]  }
0x7a: {  	s30 =	simm.s32 $0x80;
	[sflag:s25] =	ssyncadd.s32 $0xFFFFF060;
	s31 =	smov.u32 s6  }
0x7b: {  	[hbm4b:s6+s26] =	stream.strided.scatter [tilespmem:s10], [sflag:$0x2], $0x7D00, s28, s26, $0x38;
	[tilespmem:$0x10200] =	vst v63  }
.LBB2_2:
0x7c: {  	_ =	swait.ge [sflag:s7], $0x7D00  }
0x7d: {  	[sflag:s7] =	ssyncset.done $0x0  }
0x7e: {  	s5 =	sadd.s32 $0x4, s6;
	[sflag:s7] =	ssyncadd.s32 $0xFFFF8300  }
0x7f: {  	[hbm4b:s5+s26] =	stream.strided.scatter [tilespmem:s11], [sflag:$0x2], $0x7D00, s28, s26, $0x38;
	[tilespmem:$0x10200] =	vst v63  }
0x80: {  	_ =	swait.ge [sflag:s7], $0x7D00  }
0x81: {  	s0 =	smov.u32 s30;
	s14 =	rddreg [dreg:$0x5];
	[sflag:s7] =	ssyncset.done $0x0  }
0x82: {  	[sflag:s7] =	ssyncadd.s32 $0xFFFF8300;
	s5 =	sadd.s32 s0, s14  }
0x83: {  	[tilespmem:s3], [sflag:$0x2] =	stream.linear.gather [hbm4b:s5+s3], $0x400, $0x38;
	[tilespmem:$0x10200] =	vst v63  }
0x84: {  	_ =	swait.ge [sflag:s7], $0x400  }
0x85: {  	s15 =	rddreg [dreg:$0x4];
	[sflag:s7] =	ssyncset.done $0x0  }
0x86: {  	[sflag:s7] =	ssyncadd.s32 $0xFFFFFC00;
	s0 =	sadd.s32 s0, s15  }
0x87: {  	[tilespmem:s8], [sflag:$0x2] =	stream.linear.gather [hbm4b:s0+s3], $0x400, $0x38;
	[tilespmem:$0x10200] =	vst v63  }
0x88: {  	_ =	swait.ge [sflag:s7], $0x400  }
0x89: {  	s0 =	rddreg [dreg:$0x13]  }
0x8a: {  	s5 =	rddreg [dreg:$0x11]  }
0x8b: {  	s1 =	rddreg [dreg:$0xf]  }
0x8c: {  	s29 =	rddreg [dreg:$0xd]  }
0x8d: {  	s12 =	rddreg [dreg:$0x6];
	[sflag:s7] =	ssyncset.done $0x0  }
0x8e: {  	s13 =	rddreg [dreg:$0x7];
	[sflag:s7] =	ssyncadd.s32 $0xFFFFFC00  }
0x8f: {  	[tilespmem:s10], [sflag:$0x1] =	stream.indirect.gather [hbm4b:s2+s9], $0x20, s3, s9, $0xb8;
	[tilespmem:$0x10200] =	vst v63  }
0x90: {  	s14 =	rddreg [dreg:$0x9]  }
0x91: {  	[tilespmem:s11], [sflag:$0x1] =	stream.indirect.gather [hbm4b:s4+s9], $0x20, s8, s9, $0xb8;
	[tilespmem:$0x10200] =	vst v63  }
0x92: {  	s15 =	rddreg [dreg:$0xb]  }
0x93: {  	[tilespmem:s13], [sflag:$0x1] =	stream.indirect.gather [hbm4b:s2+s9], $0x20, s12, s9, $0xb8;
	[tilespmem:$0x10200] =	vst v63  }
0x94: {  	s16 =	rddreg [dreg:$0x8]  }
0x95: {  	[tilespmem:s14], [sflag:$0x1] =	stream.indirect.gather [hbm4b:s4+s9], $0x20, s16, s9, $0xb8;
	[tilespmem:$0x10200] =	vst v63  }
0x96: {  	s12 =	rddreg [dreg:$0xa]  }
0x97: {  	[tilespmem:s15], [sflag:$0x1] =	stream.indirect.gather [hbm4b:s2+s9], $0x20, s12, s9, $0xb8;
	[tilespmem:$0x10200] =	vst v63  }
0x98: {  	s13 =	rddreg [dreg:$0xc]  }
0x99: {  	[tilespmem:s29], [sflag:$0x1] =	stream.indirect.gather [hbm4b:s4+s9], $0x20, s13, s9, $0xb8;
	[tilespmem:$0x10200] =	vst v63  }
0x9a: {  	s16 =	rddreg [dreg:$0xe]  }
0x9b: {  	[tilespmem:s1], [sflag:$0x1] =	stream.indirect.gather [hbm4b:s2+s9], $0x20, s16, s9, $0xb8;
	[tilespmem:$0x10200] =	vst v63  }
0x9c: {  	s15 =	rddreg [dreg:$0x10]  }
0x9d: {  	[tilespmem:s5], [sflag:$0x1] =	stream.indirect.gather [hbm4b:s4+s9], $0x20, s15, s9, $0xb8;
	[tilespmem:$0x10200] =	vst v63  }
0x9e: {  	s16 =	rddreg [dreg:$0x12]  }
0x9f: {  	[tilespmem:s0], [sflag:$0x1] =	stream.indirect.gather [hbm4b:s2+s9], $0x20, s16, s9, $0xb8;
	[tilespmem:$0x10200] =	vst v63  }
0xa0: {  	s29 =	rddreg [dreg:$0x14];
	s1 =	simm.s32 $0xC380  }
0xa1: {  	[tilespmem:s1], [sflag:$0x1] =	stream.indirect.gather [hbm4b:s4+s9], $0x20, s29, s9, $0xb8;
	[tilespmem:$0x10200] =	vst v63  }
0xa2: {  	s12 =	simm.s32 $0x5620;
	s5 =	simm.s32 $0x280  }
0xa3: {  	[tilespmem:s12], [sflag:$0x1] =	stream.indirect.gather [hbm4b:s2+s9], $0x20, s5, s9, $0xb8;
	[tilespmem:$0x10200] =	vst v63  }
0xa4: {  	s14 =	simm.s32 $0xD320;
	s13 =	simm.s32 $0x680  }
0xa5: {  	[tilespmem:s14], [sflag:$0x1] =	stream.indirect.gather [hbm4b:s4+s9], $0x20, s13, s9, $0xb8;
	[tilespmem:$0x10200] =	vst v63  }
0xa6: {  	_ = 	snop  }
0xa7: {  	[tilespmem:s18], [sflag:$0x1] =	stream.indirect.gather [hbm4b:s2+s9], $0x20, s17, s9, $0xb8;
	[tilespmem:$0x10200] =	vst v63  }
0xa8: {  	_ = 	snop  }
0xa9: {  	[tilespmem:s20], [sflag:$0x1] =	stream.indirect.gather [hbm4b:s4+s9], $0x20, s19, s9, $0xb8;
	[tilespmem:$0x10200] =	vst v63  }
0xaa: {  	_ = 	snop  }
0xab: {  	[tilespmem:s22], [sflag:$0x1] =	stream.indirect.gather [hbm4b:s2+s9], $0x20, s21, s9, $0xb8;
	[tilespmem:$0x10200] =	vst v63  }
0xac: {  	_ = 	snop  }
0xad: {  	[tilespmem:s24], [sflag:$0x1] =	stream.indirect.gather [hbm4b:s4+s9], $0x20, s23, s9, $0xb8;
	[tilespmem:$0x10200] =	vst v63  }
0xae: {  	_ =	swait.ge [sflag:s25], $0xFA0  }
0xaf: {  	[sflag:s25] =	ssyncset.done $0x0  }
0xb0: {  	[sflag:s25] =	ssyncadd.s32 $0xFFFFF060  }
0xb1: {  	_ =	swait.ge [sflag:s25], $0xFA0  }
0xb2: {  	[sflag:s25] =	ssyncset.done $0x0  }
0xb3: {  	[sflag:s25] =	ssyncadd.s32 $0xFFFFF060  }
0xb4: {  	_ =	swait.ge [sflag:s25], $0xFA0  }
0xb5: {  	[sflag:s25] =	ssyncset.done $0x0  }
0xb6: {  	[sflag:s25] =	ssyncadd.s32 $0xFFFFF060  }
0xb7: {  	_ =	swait.ge [sflag:s25], $0xFA0  }
0xb8: {  	[sflag:s25] =	ssyncset.done $0x0  }
0xb9: {  	[sflag:s25] =	ssyncadd.s32 $0xFFFFF060  }
0xba: {  	_ =	swait.ge [sflag:s25], $0xFA0  }
0xbb: {  	[sflag:s25] =	ssyncset.done $0x0  }
0xbc: {  	[sflag:s25] =	ssyncadd.s32 $0xFFFFF060  }
0xbd: {  	_ =	swait.ge [sflag:s25], $0xFA0  }
0xbe: {  	[sflag:s25] =	ssyncset.done $0x0  }
0xbf: {  	[sflag:s25] =	ssyncadd.s32 $0xFFFFF060  }
0xc0: {  	_ =	swait.ge [sflag:s25], $0xFA0  }
0xc1: {  	[sflag:s25] =	ssyncset.done $0x0  }
0xc2: {  	[sflag:s25] =	ssyncadd.s32 $0xFFFFF060  }
0xc3: {  	_ =	swait.ge [sflag:s25], $0xFA0  }
0xc4: {  	[sflag:s25] =	ssyncset.done $0x0  }
0xc5: {  	[sflag:s25] =	ssyncadd.s32 $0xFFFFF060  }
0xc6: {  	_ =	swait.ge [sflag:s25], $0xFA0  }
0xc7: {  	[sflag:s25] =	ssyncset.done $0x0  }
0xc8: {  	[sflag:s25] =	ssyncadd.s32 $0xFFFFF060  }
0xc9: {  	_ =	swait.ge [sflag:s25], $0xFA0  }
0xca: {  	[sflag:s25] =	ssyncset.done $0x0  }
0xcb: {  	[sflag:s25] =	ssyncadd.s32 $0xFFFFF060  }
0xcc: {  	_ =	swait.ge [sflag:s25], $0xFA0  }
0xcd: {  	[sflag:s25] =	ssyncset.done $0x0  }
0xce: {  	[sflag:s25] =	ssyncadd.s32 $0xFFFFF060  }
0xcf: {  	_ =	swait.ge [sflag:s25], $0xFA0  }
0xd0: {  	[sflag:s25] =	ssyncset.done $0x0  }
0xd1: {  	[sflag:s25] =	ssyncadd.s32 $0xFFFFF060  }
0xd2: {  	_ =	swait.ge [sflag:s25], $0xFA0  }
0xd3: {  	[sflag:s25] =	ssyncset.done $0x0  }
0xd4: {  	[sflag:s25] =	ssyncadd.s32 $0xFFFFF060  }
0xd5: {  	_ =	swait.ge [sflag:s25], $0xFA0  }
0xd6: {  	[sflag:s25] =	ssyncset.done $0x0  }
0xd7: {  	[sflag:s25] =	ssyncadd.s32 $0xFFFFF060  }
0xd8: {  	_ =	swait.ge [sflag:s25], $0xFA0  }
0xd9: {  	p0 =	sne.s32 s30, $0xC00;
	[sflag:s25] =	ssyncset.done $0x0  }
.Ltmp0:
0xda: {  	[sflag:s25] =	ssyncadd.s32 $0xFFFFF060;
	(pc) =	sbr.rel @p0 .LBB2_2-.Ltmp0, $4  }
0xdb: {  	_ =	swait.ge [sflag:s25], $0xFA0  }
0xdc: {  	s31 =	sadd.s32 $0x1F40, s31;
	[sflag:s25] =	ssyncset.done $0x0  }
0xdd: {  	s30 =	sadd.s32 $0x80, s30;
	s6 =	smov.u32 s31;
	[sflag:s25] =	ssyncadd.s32 $0xFFFFF060  }
0xde: {  	[hbm4b:s31+s26] =	stream.strided.scatter [tilespmem:s10], [sflag:$0x2], $0x7D00, s28, s26, $0x38;
	[tilespmem:$0x10200] =	vst v63  }
0xdf: {  	_ =	swait.ge [sflag:s7], $0x7D00  }
0xe0: {  	[sflag:s7] =	ssyncset.done $0x0  }
0xe1: {  	s0 =	sadd.s32 $0x4, s6;
	[sflag:s7] =	ssyncadd.s32 $0xFFFF8300  }
0xe2: {  	[hbm4b:s0+s26] =	stream.strided.scatter [tilespmem:s11], [sflag:$0x2], $0x7D00, s28, s26, $0x38;
	[tilespmem:$0x10200] =	vst v63  }
0xe3: {  	_ =	swait.ge [sflag:s7], $0x7D00  }
0xe4: {  	s30 =	rddreg [dreg:$0x17]  }
0xe5: {  	s31 =	rddreg [dreg:$0x15];
	s6 =	sadd.s32 $0x1, s30  }
0xe6: {  	p0 =	sne.s32 s6, s31  }
.Ltmp1:
0xe7: {  	_ = 	snop;
	(pc) =	sbr.rel @p0 .LBB2_1-.Ltmp1, $3  }
0xe8: {  	_ =	sdelay $0x1  }
0xe9: {  	[sflag:s7] =	ssyncset.done $0x0  }
0xea: {  	[sflag:s7] =	ssyncadd.s32 $0xFFFF8300  }
0xeb: {  	_ =	sfence.sel $0x180000  }
0xec: {  	[bflag:$0x0] =	sbarrier.arrive $0xFFFF  }
0xed: {  	_ =	strace $0x90000047  }
0xee: {  	s0 =	stileid.u32;
	[bflag:$0x2] =	sbarrier.arrive $0xFFFF  }
0xef: {  	p0 =	sne.s32 s0, $0x0;
	s0 =	rddreg [dreg:$0x3]  }
0xf0: {  	s0 =	sadd.s32 @!p0 $0x100000, s0  }
0xf1: {  	[sflag:s0] =	ssyncadd.tile.s32 @!p0 $0x1;
	_ =	shalt  }
.Lfunc_end2:
_tile_overlayer_lowered:
.L_overlay_start_2:
0xf2: {  	(tag) =	ssettag $0x2  }
0xf3: {  	s0 =	rddreg [dreg:$0x0];
	s2 =	stileid.u32  }
0xf4: {  	s1 =	rddreg [dreg:$0x1];
	p0 =	sne.s32 s2, $0x0  }
0xf5: {  	s3 =	rddreg [dreg:$0x2];
	[bflag:$0x3] =	sbarrier.arrive $0xFFFF;
	s2 =	simm.s32 @!p0 $0x1C02  }
0xf6: {  	[timem:s3], [sflag:s2] =	dma.local @!p0 [hbm:s0], s1  }
0xf7: {  	s0 =	simm.s32 @!p0 $0x2  }
0xf8: {  	_ =	swait.ge @!p0 [sflag:s0], s1  }
0xf9: {  	s1 =	ssub.s32 @!p0 $0x0, s1;
	[sflag:s0] =	ssyncset.done @!p0 $0x0  }
0xfa: {  	[sflag:s0] =	ssyncadd.s32 @!p0 s1  }
0xfb: {  	[bflag:$0x3] =	sbarrier.arrive $0xFFFF  }
0xfc: {  	_ =	shalt  }

// kernel: sparse-core-data-format-call.cloned.1.call-start
scs
called_computation_lowered:
.L_overlay_start_0:
0x0: {  	s2 =	sld [smem:$0x3FD9]  }
0x1: {  	s3 =	sld [smem:$0x3FFE];
	_ =	sdelay $0x1  }
0x2: {  	s1 =	srdreg.scid  }
0x3: {  	s0 =	sand.u32 $0x1, s1  }
0x4: {  	s15 =	sshll.u32 s0, $0xA;
	s2 =	sadd.s32 s3, s2  }
0x5: {  	s2 =	sadd.s32 s2, s15  }
0x6: {  	[smem:$0x3FC1] =	sst s2  }
0x7: {  	_ = 	snop  }
0x8: {  	s2 =	sld [smem:$0x3FD0];
	_ =	sdelay $0x2  }
0x9: {  	s16 =	simm.s32 $0xA;
	s4 =	simm.s32 $0x10  }
0xa: {  	[smem:s4], [sflag:s16] =	dma.local [hbm:s2], $0x1  }
0xb: {  	_ =	swait.eq [sflag:s16], $0x1  }
0xc: {  	[sflag:s16] =	ssyncset.done $0x0  }
0xd: {  	[sflag:s16] =	ssyncadd.s32 $0xFFFFFFFF  }
0xe: {  	s17 =	sld [smem:$0x11];
	(tm) =	ssettm $0x1  }
0xf: {  	s18 =	sld [smem:$0x3FFB];
	_ =	sdelay $0x3  }
0x10: {  	_ =	strace s18  }
0x11: {  	s3 =	sld [smem:$0x3FFC];
	_ =	sdelay $0x3  }
0x12: {  	_ =	strace s3  }
0x13: {  	s3 =	sld [smem:$0x3FFD];
	_ =	sdelay $0x3  }
0x14: {  	_ =	strace s3  }
0x15: {  	_ =	strace $0x8FFFFFFF  }
0x16: {  	s19 =	sld [smem:$0x3FDB];
	_ =	sdelay $0x1  }
0x17: {  	s20 =	simm.s32 $_scs_section_size  }
0x18: {  	s5 =	simm.s32 $_size__tile_overlayer_lowered;
	s6 =	simm.s32 $_tile_overlayer_lowered  }
0x19: {  	s23 =	simm.s32 $0x1BFF;
	s22 =	sshll.u32 s6, $0x1;
	s3 =	sadd.s32 s20, s19  }
0x1a: {  	s7 =	simm.s32 $0x0;
	s21 =	sshll.u32 s5, $0x1;
	s5 =	sadd.s32 s22, s3  }
0x1b: {  	[timem:s7], [sflag:s23] =	dma.local [hbm:s5], s21  }
0x1c: {  	_ =	swait.ge [sflag:s23], s21  }
0x1d: {  	s4 =	ssub.s32 $0x0, s21;
	[sflag:s23] =	ssyncset.done $0x0  }
0x1e: {  	[sflag:s23] =	ssyncadd.s32 s4;
	_ =	sdelay $0x1  }
0x1f: {  	s24 =	simm.s32 $0x1B8B  }
0x20: {  	_ =	swait.ge [sflag:s24], $0x1  }
0x21: {  	[sflag:s24] =	ssyncset.done $0x0  }
0x22: {  	s26 =	simm.s32 $0x1B8E;
	s25 =	sld [smem:$0x3FFE];
	[sflag:s24] =	ssyncadd.s32 $0xFFFFFFFF  }
0x23: {  	s27 =	simm.s32 $execute0_lowered;
	[smem:$0x3FD2] =	sst s26  }
0x24: {  	s5 =	sshll.u32 s27, $0x1;
	_ =	strace $0x80000049;
	[dreg:$0x1] =	wrdreg $0xFFFFFFFF  }
0x25: {  	s28 =	simm.s32 $_size_execute0_lowered;
	s3 =	sadd.s32 s3, s5;
	[dreg:$0x0] =	wrdreg $0x0  }
0x26: {  	s5 =	sshll.u32 s28, $0x1;
	[dreg:$0x2] =	wrdreg s3  }
0x27: {  	[dreg:$0x3] =	wrdreg s5  }
0x28: {  	[dreg:$0x4] =	wrdreg $0xC0  }
0x29: {  	_ =	task [dreg:s7], $0x5FFFF  }
0x2a: {  	[dreg:$0x1] =	wrdreg $0xFFFFFFFF  }
0x2b: {  	[dreg:$0x0] =	wrdreg $0x60  }
0x2c: {  	[dreg:$0x2] =	wrdreg s25  }
0x2d: {  	[dreg:$0x3] =	wrdreg s17  }
0x2e: {  	[dreg:$0x4] =	wrdreg $0x9  }
0x2f: {  	_ =	task.clear_ibuf [dreg:s7], $0x5FFFF;
	_ =	strace $0x90000049  }
0x30: {  	s29 =	simm.s32 $0x9;
	_ =	strace $0x8000004B  }
0x31: {  	_ =	swait.ge [sflag:s29], $0x1  }
0x32: {  	[sflag:s29] =	ssyncadd.s32 $0xFFFFFFFF  }
0x33: {  	_ =	strace $0x9000004B  }
0x34: {  	_ =	sfence  }
0x35: {  	s30 =	sld [smem:$0x0];
	_ =	sdelay $0x2  }
0x36: {  	s31 =	sshll.u32 s1, $0xD;
	s1 =	sshrl.u32 s1, $0x2  }
0x37: {  	s3 =	sand.u32 $0x4000, s31;
	s1 =	sadd.s32 s1, s30  }
0x38: {  	s0 =	sor.u32 s3, s0;
	s1 =	sshll.u32 s1, $0x11  }
0x39: {  	s0 =	sor.u32 s1, s0  }
0x3a: {  	s0 =	sadd.s32 $0x8F2B, s0  }
0x3b: {  	[sflag:s0] =	ssyncadd.remote.s32 $0x1  }
0x3c: {  	_ =	sfence.sel $0xFFFF  }
0x3d: {  	[dreg:$0x0] =	wrdreg $0xFFFFFFFF;
	(pc) =	sbr.abs _section_cstart, $3  }
0x3e: {  	[dreg:$0x1] =	wrdreg $0xFFFFFFFF  }
0x3f: {  	_ =	task.clear_ibuf [dreg:s7], $0x2FFFF;
	_ =	strace $0x9FFFFFFF  }
0x40: {  	(tm) =	ssettm $0x7FFFFFFF  }
0x41: {  	_ =	shalt  }
tec
execute0_lowered:
.L_overlay_start_1:
0x0: {  	(tag) =	ssettag $0x1  }
0x1: {  	s0 =	srdreg.scid  }
0x2: {  	s1 =	sshll.u32 s0, $0x4  }
0x3: {  	s4 =	rddreg [dreg:$0x0];
	s0 =	stileid.u32;
	s1 =	sand.u32 $0x10, s1  }
0x4: {  	s2 =	rddreg [dreg:$0x1];
	s7 =	simm.s32 $0x1;
	s1 =	sor.u32 s0, s1  }
0x5: {  	s8 =	simm.s32 $0x2;
	s11 =	simm.s32 $0x0;
	s3 =	sshll.u32 s1, $0x7  }
0x6: {  	s10 =	simm.s32 $0x0;
	s4 =	sadd.s32 $0x1400, s4;
	s6 =	ssub.s32 $0xC3500, s3  }
.Ltmp0:
0x7: {  	s1 =	rddreg [dreg:$0x2];
	s5 =	sand.u32 $0xF80, s6;
	(pc) =	sbr.rel .LBB1_1-.Ltmp0, $4  }
0x8: {  	_ =	strace $0x8000004A;
	s9 =	smov.u32 s3;
	p0 =	sne.s32 s5, $0x0  }
0x9: {  	s6 =	sshrl.u32 s6, $0xC;
	s5 =	simm.s32 $0x1;
	s7 =	simm.s32 @!p0 $0x0  }
0xa: {  	[sflag:s5] =	ssyncpa.u1 $0x0;
	p0 =	por $0x0, $0x0;
	s6 =	sadd.s32 s7, s6  }
0xb: {  	[sflag:s8] =	ssyncpa.u1 $0x0;
	s8 =	simm.s32 $0x61A800;
	s7 =	sadd.s32 $0x1, s6  }
.LBB1_4:
0xc: {  	s14 =	sshll.u32 s11, $0x3  }
0xd: {  	s14 =	sand.u32 $0xFFFFFC00, s14  }
0xe: {  	s15 =	sshrl.u32 s14, $0x8  }
0xf: {  	s15 =	smulhi.u32 $0x14F8B59, s15;
	_ =	sdelay $0x1  }
0x10: {  	s15 =	sshrl.u32 s15, $0x4  }
0x11: {  	s28 =	sand.u32 $0x7F, s11;
	s16 =	smul.u32 $0xC3500, s15  }
0x12: {  	s11 =	sor.u32 s28, s14  }
0x13: {  	s29 =	sand.u32 $0x3F, s15;
	s11 =	ssub.s32 s11, s16  }
0x14: {  	[tilespmem:s13+$0x810 ss:$0x81] =	vst.msk $0xffff, v2;
	s14 =	smul.u32 $0x186A0, s29;
	s30 =	sshrl.u32 s11, $0x3;
	s11 =	sand.u32 $0x7, s11  }
0x15: {  	[tilespmem:s13+$0x1020 ss:$0x81] =	vst.msk $0xffff, v0;
	s15 =	sadd.s32 s2, s30;
	s11 =	sshll.u32 s11, $0x12  }
0x16: {  	[tilespmem:s13+$0x0 ss:$0x81] =	vst.msk $0xffff, v1;
	s31 =	sadd.s32 s14, s15;
	s11 =	sor.u32 $0x400, s11  }
0x17: {  	[hbm4b:s31+s11] =	stream.strided.scatter [tilespmem:s12], [sflag:$0x2], $0x2000, s8, s11, $0x20;
	[tilespmem:$0x8080] =	vst v63  }
.LBB1_5:
0x18: {  	s13 =	sadd.s32 $0x1000, s9  }
0x19: {  	p2 =	sgt.s32 s13, $0xC34FF  }
0x1a: {  	s13 =	smov.u32 @p2 s3;
	p2 =	sne.s32 s10, s7  }
.Ltmp1:
0x1b: {  	p1 =	slt.u32 s10, $0x2;
	(pc) =	sbr.rel @!p2 .LBB1_6-.Ltmp1, $4  }
0x1c: {  	s12 =	simm.s32 @!p1 $0x2  }
0x1d: {  	s14 =	sadd.s32 $0x1, s10;
	_ =	swait.ge @!p1 [sflag:s12], $0x2000  }
0x1e: {  	s11 =	smov.u32 s9;
	p0 =	por !p0, !p0;
	[sflag:s12] =	ssyncset.done @!p1 $0x0  }
0x1f: {  	s10 =	smov.u32 s14;
	s9 =	smov.u32 s13;
	[sflag:s12] =	ssyncadd.s32 @!p1 $0xFFFFE000  }
.LBB1_1:
0x20: {  	p1 =	sge.u32 s10, s6  }
0x21: {  	s12 =	sand.u32 @!p1 $0x1FFFFFF, s9  }
0x22: {  	s13 =	smulhi.u32 @!p1 $0x14F8B59, s12;
	_ =	sdelay $0x1  }
0x23: {  	s13 =	sshrl.u32 @!p1 s13, $0xC  }
0x24: {  	s13 =	smul.u32 @!p1 $0xC3500, s13;
	_ =	sdelay $0x1  }
0x25: {  	s31 =	sadd.s32 $0xFFFFFFFF, s10;
	s14 =	sxor.u32 @!p1 $0xFFFFFFFF, s10;
	s12 =	ssub.s32 @!p1 s12, s13  }
0x26: {  	s15 =	simm.s32 @!p1 $0x80;
	s14 =	sshll.u32 @!p1 s14, $0xD;
	s12 =	sshll.u32 @!p1 s12, $0x4  }
0x27: {  	s13 =	sand.u32 @!p1 $0x2000, s14;
	s14 =	simm.s32 @!p1 $0x40;
	s12 =	sadd.s32 @!p1 s4, s12  }
0x28: {  	[tilespmem:s13], [sflag:$0x1] =	stream.strided.gather @!p1 [hbm4b:s12+s14], $0x2000, s15, s14, $0x38;
	[tilespmem:$0x8080] =	vst v63  }
0x29: {  	p1 =	sge.u32 s31, s6  }
.Ltmp2:
0x2a: {  	_ = 	snop;
	(pc) =	sbr.rel @p1 .LBB1_5-.Ltmp2, $1  }
0x2b: {  	_ =	sdelay $0x3  }
0x2c: {  	s12 =	simm.s32 $0x1  }
0x2d: {  	_ =	swait.ge [sflag:s5], $0x2000;
	s12 =	simm.s32 @!p0 $0x0  }
0x2e: {  	[sflag:s5] =	ssyncset.done $0x0;
	s13 =	sshll.u32 s12, $0xD  }
0x2f: {  	[sflag:s5] =	ssyncadd.s32 $0xFFFFE000;
	s16 =	sor.u32 $0x20, s13  }
0x30: {  	s12 =	smul.u32 $0x8100, s12;
	v3 =	vld [tilespmem:s16+$0x10]  }
0x31: {  	s30 =	sand.u32 $0x1, s10;
	v2 =	vld [tilespmem:s16+$0xFFFFFFF0]  }
0x32: {  	s13 =	smul.u32 $0x8100, s30;
	s12 =	sshrl.u32 s12, $0x2;
	v0 =	vld [tilespmem:s16+$0x0]  }
0x33: {  	v1 =	vld [tilespmem:s16+$0xFFFFFFE0];
	s14 =	sor.u32 $0x4000, s12  }
0x34: {  	s31 =	sshrl.u32 s13, $0x2;
	s13 =	sadd.s32 $0x0, s14  }
0x35: {  	s15 =	simm.s32 $0x4;
	s16 =	sadd.s32 $0x40, s16;
	s12 =	sor.u32 $0x4000, s31;
	[tilespmem:s13+$0x1830 ss:$0x81] =	vst.msk $0xffff, v3  }
.LBB1_3:
0x36: {  	v3 =	vld [tilespmem:s16+$0x10];
	p1 =	sne.s32 s15, $0x1FC;
	[tilespmem:s13+$0x810 ss:$0x81] =	vst.msk $0xffff, v2;
	s17 =	smov.u32 s15;
	s15 =	sadd.s32 $0x4, s15  }
.Ltmp3:
0x37: {  	v2 =	vld [tilespmem:s16+$0xFFFFFFF0];
	[tilespmem:s13+$0x1020 ss:$0x81] =	vst.msk $0xffff, v0;
	(pc) =	sbr.rel @p1 .LBB1_3-.Ltmp3, $4  }
0x38: {  	v0 =	vld [tilespmem:s16+$0x0];
	[tilespmem:s13+$0x0 ss:$0x81] =	vst.msk $0xffff, v1  }
0x39: {  	s13 =	sshra.s32 s17, $0x2;
	v1 =	vld [tilespmem:s16+$0xFFFFFFE0]  }
0x3a: {  	s13 =	sadd.s32 s13, s14  }
0x3b: {  	s16 =	sadd.s32 $0x40, s16;
	[tilespmem:s13+$0x1830 ss:$0x81] =	vst.msk $0xffff, v3  }
.Ltmp4:
0x3c: {  	_ = 	snop;
	(pc) =	sbr.rel .LBB1_4-.Ltmp4, $1  }
0x3d: {  	_ =	sdelay $0x3  }
.LBB1_6:
0x3e: {  	_ =	sfence.sel $0x180000  }
0x3f: {  	s2 =	simm.s32 $0x1;
	[bflag:$0x0] =	sbarrier.arrive $0xFFFF  }
0x40: {  	s31 =	simm.s32 $0x2;
	[sflag:s2] =	ssyncpa.u1 $0x1  }
0x41: {  	[sflag:s31] =	ssyncpa.u1 $0x1  }
0x42: {  	p0 =	sne.s32 s0, $0x0;
	_ =	strace $0x9000004A  }
0x43: {  	s0 =	sadd.s32 @!p0 $0x100000, s1;
	[bflag:$0x2] =	sbarrier.arrive $0xFFFF  }
0x44: {  	[sflag:s0] =	ssyncadd.tile.s32 @!p0 $0x1;
	_ =	shalt  }
.Lfunc_end1:
_tile_overlayer_lowered:
.L_overlay_start_2:
0x45: {  	(tag) =	ssettag $0x2  }
0x46: {  	s0 =	rddreg [dreg:$0x0];
	s2 =	stileid.u32  }
0x47: {  	s1 =	rddreg [dreg:$0x1];
	p0 =	sne.s32 s2, $0x0  }
0x48: {  	s3 =	rddreg [dreg:$0x2];
	[bflag:$0x3] =	sbarrier.arrive $0xFFFF;
	s2 =	simm.s32 @!p0 $0x1C01  }
0x49: {  	[timem:s3], [sflag:s2] =	dma.local @!p0 [hbm:s0], s1  }
0x4a: {  	s0 =	simm.s32 @!p0 $0x1  }
0x4b: {  	_ =	swait.ge @!p0 [sflag:s0], s1  }
0x4c: {  	s1 =	ssub.s32 @!p0 $0x0, s1;
	[sflag:s0] =	ssyncset.done @!p0 $0x0  }
0x4d: {  	[sflag:s0] =	ssyncadd.s32 @!p0 s1  }
0x4e: {  	[bflag:$0x3] =	sbarrier.arrive $0xFFFF  }
0x4f: {  	_ =	shalt  }

</sc_bundles>
